<compile_context>
chip_gen: v7x
topology: tpu7x:2x2x1
jax: 0.10.2.dev20260603
libtpu: 0.0.44.dev20260713+nightly
codegen_flags: <defaults>
</compile_context>

<pallas_src>
import functools

import jax
import jax.numpy as jnp
from jax import lax
from jax.experimental import pallas as pl
from jax.experimental.pallas import tpu as pltpu
from jax.experimental.pallas import tpu_sc as plsc

DIM = 32
NB = 512
LANES = 16


def _sc_workers():
    try:
        info = plsc.get_sparse_core_info()
        return info.num_cores, info.num_subcores
    except Exception:
        return 2, 16


@functools.partial(jax.jit, static_argnums=(2, 3))
def _detile_table(emb_t, tail_flat, nc, ns):
    nw = nc * ns
    d, v = emb_t.shape
    assert d == DIM
    cols = 512
    full = (v // cols) * cols
    tail = v - full
    n_blocks = 2 * (-(-(full // cols) // (2 * nw)))
    stride_w = (full // cols // nw) * cols

    mesh = plsc.VectorSubcoreMesh(core_axis_name="c", subcore_axis_name="s")

    @functools.partial(
        pl.kernel,
        mesh=mesh,
        out_type=jax.ShapeDtypeStruct((v * DIM,), jnp.float32),
        scratch_types=[
            pltpu.VMEM((2, DIM, cols), jnp.float32),
            pltpu.VMEM((2, cols * DIM), jnp.float32),
        ]
        + [pltpu.SemaphoreType.DMA] * 4,
        compiler_params=pltpu.CompilerParams(
            use_tc_tiling_on_sc=True, needs_layout_passes=False
        ),
    )
    def k(emb_hbm, tail_hbm, out_hbm, in_v, t_v, *sems):
        i_sem = sems[0:2]
        o_sem = sems[2:4]
        wid = lax.axis_index("s") * nc + lax.axis_index("c")
        c_base = wid * stride_w
        cmax = full - cols

        def c0_of(b):
            return jnp.minimum(c_base + b * cols, cmax)

        def in_copy(bi, b):
            return pltpu.make_async_copy(
                emb_hbm.at[:, pl.ds(c0_of(b), cols)], in_v.at[bi], i_sem[bi]
            )

        def out_copy(bi, b):
            return pltpu.make_async_copy(
                t_v.at[bi], out_hbm.at[pl.ds(c0_of(b) * DIM, cols * DIM)], o_sem[bi]
            )

        p_vec = lax.iota(jnp.int32, LANES) * DIM

        def transpose(bi):
            g2 = in_v.at[bi]
            w1 = t_v.at[bi]

            @functools.partial(plsc.parallel_loop, 0, DIM * (cols // LANES), unroll=8)
            def body(it):
                rr = lax.shift_right_logical(it, 5)
                cc = (it & 31) * LANES
                vv = g2[rr, pl.ds(cc, LANES)]
                w1[pl.ds(it * LANES, LANES)] = vv

        def step(b, bi, bj, first):
            in_copy(bj, b + 1).start()
            in_copy(bi, b).wait()
            if not first:
                out_copy(bi, b).wait()
            transpose(bi)
            out_copy(bi, b).start()

        in_copy(0, jnp.int32(0)).start()
        step(jnp.int32(0), 0, 1, True)
        step(jnp.int32(1), 1, 0, True)

        def body(b, carry):
            step(2 * b, 0, 1, False)
            step(2 * b + 1, 1, 0, False)
            return carry

        lax.fori_loop(1, n_blocks // 2, body, 0)

        in_copy(0, jnp.int32(0)).wait()
        out_copy(0, jnp.int32(0)).wait()
        out_copy(1, jnp.int32(0)).wait()

        @pl.when(wid == 0)
        def _tail():
            pltpu.sync_copy(tail_hbm, out_hbm.at[pl.ds(full * DIM, tail * DIM)])

    return k(emb_t, tail_flat)


@functools.partial(jax.jit, static_argnums=(2, 3))
def _gather_t(idx_t, table, nc, ns):
    nw = nc * ns
    seq, nbatch = idx_t.shape
    assert nbatch % NB == 0
    blocks_per_s = nbatch // NB
    assert blocks_per_s == 32
    n_blocks = seq * blocks_per_s
    assert n_blocks % nw == 0
    blk_per_w = n_blocks // nw
    assert blk_per_w % 2 == 0
    ntr = DIM // 8
    ntc = NB // 128

    mesh = plsc.VectorSubcoreMesh(core_axis_name="c", subcore_axis_name="s")

    @functools.partial(
        pl.kernel,
        mesh=mesh,
        out_type=jax.ShapeDtypeStruct((seq * ntr * (nbatch // 128) * 8 * 128,), jnp.float32),
        scratch_types=[
            pltpu.VMEM((2, NB), jnp.int32),
            pltpu.VMEM((2, NB, DIM), jnp.float32),
            pltpu.VMEM((2, ntr * ntc * 8 * 128), jnp.float32),
        ]
        + [pltpu.SemaphoreType.DMA] * 6,
        compiler_params=pltpu.CompilerParams(
            use_tc_tiling_on_sc=False, needs_layout_passes=False
        ),
    )
    def k(idx_hbm, table_hbm, out_hbm, idx_v, g_v, w_v, *sems):
        idx_sem = sems[0:2]
        g_sem = sems[2:4]
        o_sem = sems[4:6]
        wid = lax.axis_index("s") * nc + lax.axis_index("c")
        blk0 = wid * blk_per_w
        last = blk_per_w - 1

        tr_lo = lax.shift_right_logical(lax.iota(jnp.int32, LANES), 3)
        sl_vec = lax.iota(jnp.int32, LANES) & 7
        tr_hi = tr_lo + 2

        def coords(i):
            beta = blk0 + i
            s = lax.shift_right_logical(beta, 5)
            bq = beta & (blocks_per_s - 1)
            return s, bq

        def idx_copy(bi, i):
            s, bq = coords(i)
            return pltpu.make_async_copy(
                idx_hbm.at[s, pl.ds(bq * NB, NB)], idx_v.at[bi], idx_sem[bi]
            )

        def gather(bi, i):
            return pltpu.async_copy(
                table_hbm.at[idx_v.at[bi]], g_v.at[bi], g_sem[bi]
            )

        p_lo = tr_lo * (ntc * 1024) + sl_vec * 128
        p_hi = p_lo + 2 * (ntc * 1024)
        tile_sz = ntc * 8 * 128

        def out_copies(bi, i):
            s, bq = coords(i)
            row = (s * ntr) * (nbatch // 128) + bq * ntc
            return [
                pltpu.make_async_copy(
                    w_v.at[bi, pl.ds(tr * tile_sz, tile_sz)],
                    out_hbm.at[pl.ds((row + tr * (nbatch // 128)) * 1024, tile_sz)],
                    o_sem[bi],
                )
                for tr in range(ntr)
            ]

        def transpose(bi):
            g2 = g_v.at[bi]
            w1 = w_v.at[bi]

            @functools.partial(plsc.parallel_loop, 0, NB, unroll=8)
            def body(j):
                t = jnp.broadcast_to(j + lax.shift_right_logical(j, 7) * 896, (LANES,))
                v0 = g2[j, pl.ds(0, LANES)]
                v1 = g2[j, pl.ds(LANES, LANES)]
                plsc.store_scatter(w1, [p_lo + t], v0)
                plsc.store_scatter(w1, [p_hi + t], v1)

        def step(blk, bi, bj, first):
            nxt = jnp.minimum(blk + 1, last)
            nxt2 = jnp.minimum(blk + 2, last)
            idx_copy(bj, nxt).wait()
            gather(bj, nxt)
            pltpu.make_async_copy(
                table_hbm.at[idx_v.at[bi]], g_v.at[bi], g_sem[bi]
            ).wait()
            idx_copy(bi, nxt2).start()
            if not first:
                for cp in out_copies(bi, blk):
                    cp.wait()
            transpose(bi)
            for cp in out_copies(bi, blk):
                cp.start()

        idx_copy(0, jnp.int32(0)).start()
        idx_copy(1, jnp.int32(1)).start()
        idx_copy(0, jnp.int32(0)).wait()
        gather(0, jnp.int32(0))
        step(jnp.int32(0), 0, 1, True)
        step(jnp.int32(1), 1, 0, True)

        def body(g, carry):
            step(2 * g, 0, 1, False)
            step(2 * g + 1, 1, 0, False)
            return carry

        lax.fori_loop(1, blk_per_w // 2, body, 0)

        pltpu.make_async_copy(
            table_hbm.at[idx_v.at[0]], g_v.at[0], g_sem[0]
        ).wait()
        idx_copy(1, jnp.int32(last)).wait()
        for bi in range(2):
            for cp in out_copies(bi, jnp.int32(last)):
                cp.wait()

    return k(idx_t, table)


def kernel(inputs, embedding):
    nc, ns = _sc_workers()
    idx_t = inputs.astype(jnp.int32).T
    nrows, seq = inputs.shape
    out = _gather_t(idx_t, embedding, nc, ns)
    out = out.reshape(seq, DIM // 8, nrows // 128, 8, 128)
    return out.transpose(2, 4, 0, 1, 3).reshape(nrows, seq, DIM)

# --- scband reference (transcript-rebuilt; emitter-appended) ---
"""Pipeline reference for scband-embedding-4698694222143 (READ-ONLY COPY).

The authoritative reference and input builder live on the scoring server;
editing this copy changes nothing except your own understanding.
"""

import jax, jax.numpy as jnp
import numpy as np

NUM_EMBEDDINGS = 1000000
EMBEDDING_DIM = 32

def setup_inputs(seed: int = 0) -> dict:
    key = jax.random.key(seed)
    k_idx, k_emb = jax.random.split(key)
    inputs = jax.random.randint(k_idx, (16384, 200), 0, NUM_EMBEDDINGS, dtype=jnp.int64)
    embedding = jax.random.normal(k_emb, (NUM_EMBEDDINGS, EMBEDDING_DIM), dtype=jnp.float32) * 1.0
    return {"inputs": inputs, "embedding": embedding}

def reference(inputs, embedding):
    # Faithful translation of flax Embedding.apply: jnp.take(embedding, inputs, axis=0)
    return jnp.take(embedding, inputs, axis=0)

if __name__ == "__main__":
    import jax
    _d = setup_inputs()
    print(jax.jit(kernel)(*tuple(_d.values())))

</pallas_src>

<mosaic_0001>
#map = affine_map<(d0, d1) -> (0, 0)>
#map1 = affine_map<(d0, d1) -> (0)>
module attributes {stable_mosaic.version = 14 : i64} {
  func.func @k(%arg0: i32, %arg1: i32, %arg2: memref<200x16384xi32, #tpu.memory_space<hbm>>, %arg3: memref<1000000x32xf32, #tpu.memory_space<hbm>>, %arg4: memref<104857600xf32, #tpu.memory_space<hbm>>, %arg5: memref<2x512xi32, #tpu.memory_space<vmem>>, %arg6: memref<2x512x32xf32, #tpu.memory_space<vmem>>, %arg7: memref<2x16384xf32, #tpu.memory_space<vmem>>, %arg8: memref<!tpu.dma_semaphore, #tpu.memory_space<semaphore_mem>>, %arg9: memref<!tpu.dma_semaphore, #tpu.memory_space<semaphore_mem>>, %arg10: memref<!tpu.dma_semaphore, #tpu.memory_space<semaphore_mem>>, %arg11: memref<!tpu.dma_semaphore, #tpu.memory_space<semaphore_mem>>, %arg12: memref<!tpu.dma_semaphore, #tpu.memory_space<semaphore_mem>>, %arg13: memref<!tpu.dma_semaphore, #tpu.memory_space<semaphore_mem>>) attributes {dimension_semantics = [#tpu.dimension_semantics<core_parallel>, #tpu.dimension_semantics<subcore_parallel>], iteration_bounds = array<i64: 2, 16>, scalar_prefetch = 0 : i64, scratch_operands = 9 : i64, tpu.core_type = #tpu.core_type<sc_vector_subcore>, window_params = [{transform_indices = #map}, {transform_indices = #map}, {transform_indices = #map1}]} {
    %mul3A = arith.constant 2 : i32
    %mul3A_0 = arith.muli %arg1, %mul3A : i32
    %add3A = arith.addi %mul3A_0, %arg0 : i32
    %mul3A_1 = arith.constant 200 : i32
    %mul3A_2 = arith.muli %add3A, %mul3A_1 : i32
    %iota3A = tpu.iota {dimensions = array<i32: 0>} : vector<16xi32>
    %shift_right_logical3A = arith.constant 3 : i32
    %shift_right_logical3A_3 = vector.broadcast %shift_right_logical3A : i32 to vector<16xi32>
    %shift_right_logical3A_4 = arith.shrui %iota3A, %shift_right_logical3A_3 : vector<16xi32>
    %iota3A_5 = tpu.iota {dimensions = array<i32: 0>} : vector<16xi32>
    %and3A = arith.constant 7 : i32
    %and3A_6 = vector.broadcast %and3A : i32 to vector<16xi32>
    %and3A_7 = arith.andi %iota3A_5, %and3A_6 : vector<16xi32>
    %add3A_8 = arith.constant 2 : i32
    %add3A_9 = vector.broadcast %add3A_8 : i32 to vector<16xi32>
    %add3A_10 = arith.addi %shift_right_logical3A_4, %add3A_9 : vector<16xi32>
    %mul3A_11 = arith.constant 4096 : i32
    %mul3A_12 = vector.broadcast %mul3A_11 : i32 to vector<16xi32>
    %mul3A_13 = arith.muli %shift_right_logical3A_4, %mul3A_12 : vector<16xi32>
    %mul3A_14 = arith.constant 128 : i32
    %mul3A_15 = vector.broadcast %mul3A_14 : i32 to vector<16xi32>
    %mul3A_16 = arith.muli %and3A_7, %mul3A_15 : vector<16xi32>
    %add3A_17 = arith.addi %mul3A_13, %mul3A_16 : vector<16xi32>
    %add3A_18 = arith.constant 8192 : i32
    %add3A_19 = vector.broadcast %add3A_18 : i32 to vector<16xi32>
    %add3A_20 = arith.addi %add3A_17, %add3A_19 : vector<16xi32>
    %add3A_21 = arith.constant 0 : i32
    %add3A_22 = arith.addi %mul3A_2, %add3A_21 : i32
    %shift_right_logical3A_23 = arith.constant 5 : i32
    %shift_right_logical3A_24 = arith.shrui %add3A_22, %shift_right_logical3A_23 : i32
    %and3A_25 = arith.constant 31 : i32
    %and3A_26 = arith.andi %add3A_22, %and3A_25 : i32
    %mul3A_27 = arith.constant 512 : i32
    %mul3A_28 = arith.muli %and3A_26, %mul3A_27 : i32
    %dma_start3A = arith.constant 0 : i32
    %dma_start3A_29 = arith.constant 0 : i32
    %dma_start3A_30 = tpu.memref_slice %arg5[%dma_start3A, %dma_start3A_29] : memref<2x512xi32, #tpu.memory_space<vmem>> -> memref<1x512xi32, #tpu.memory_space<vmem>>
    %dma_start3A_31 = tpu.memref_squeeze %dma_start3A_30 : memref<1x512xi32, #tpu.memory_space<vmem>> -> memref<512xi32, #tpu.memory_space<vmem>>
    %dma_start3A_32 = tpu.memref_slice %arg2[%shift_right_logical3A_24, %mul3A_28] : memref<200x16384xi32, #tpu.memory_space<hbm>> -> memref<1x512xi32, #tpu.memory_space<hbm>>
    %dma_start3A_33 = tpu.memref_squeeze %dma_start3A_32 : memref<1x512xi32, #tpu.memory_space<hbm>> -> memref<512xi32, #tpu.memory_space<hbm>>
    %dma_start3A_34 = arith.constant 0 : i32
    %dma_start3A_35 = tpu.memref_slice %arg5[%dma_start3A, %dma_start3A_34] : memref<2x512xi32, #tpu.memory_space<vmem>> -> memref<1x512xi32, #tpu.memory_space<vmem>>
    %dma_start3A_36 = tpu.memref_squeeze %dma_start3A_35 : memref<1x512xi32, #tpu.memory_space<vmem>> -> memref<512xi32, #tpu.memory_space<vmem>>
    %dma_start3A_37 = tpu.memref_slice %arg2[%shift_right_logical3A_24, %mul3A_28] : memref<200x16384xi32, #tpu.memory_space<hbm>> -> memref<1x512xi32, #tpu.memory_space<hbm>>
    %dma_start3A_38 = tpu.memref_squeeze %dma_start3A_37 : memref<1x512xi32, #tpu.memory_space<hbm>> -> memref<512xi32, #tpu.memory_space<hbm>>
    tpu.enqueue_dma source(%dma_start3A_38 : memref<512xi32, #tpu.memory_space<hbm>>) target(%dma_start3A_36 : memref<512xi32, #tpu.memory_space<vmem>>) target_semaphore(%arg8 : memref<!tpu.dma_semaphore, #tpu.memory_space<semaphore_mem>>)
    %add3A_39 = arith.constant 1 : i32
    %add3A_40 = arith.addi %mul3A_2, %add3A_39 : i32
    %shift_right_logical3A_41 = arith.constant 5 : i32
    %shift_right_logical3A_42 = arith.shrui %add3A_40, %shift_right_logical3A_41 : i32
    %and3A_43 = arith.constant 31 : i32
    %and3A_44 = arith.andi %add3A_40, %and3A_43 : i32
    %mul3A_45 = arith.constant 512 : i32
    %mul3A_46 = arith.muli %and3A_44, %mul3A_45 : i32
    %dma_start3A_47 = arith.constant 1 : i32
    %dma_start3A_48 = arith.constant 0 : i32
    %dma_start3A_49 = tpu.memref_slice %arg5[%dma_start3A_47, %dma_start3A_48] : memref<2x512xi32, #tpu.memory_space<vmem>> -> memref<1x512xi32, #tpu.memory_space<vmem>>
    %dma_start3A_50 = tpu.memref_squeeze %dma_start3A_49 : memref<1x512xi32, #tpu.memory_space<vmem>> -> memref<512xi32, #tpu.memory_space<vmem>>
    %dma_start3A_51 = tpu.memref_slice %arg2[%shift_right_logical3A_42, %mul3A_46] : memref<200x16384xi32, #tpu.memory_space<hbm>> -> memref<1x512xi32, #tpu.memory_space<hbm>>
    %dma_start3A_52 = tpu.memref_squeeze %dma_start3A_51 : memref<1x512xi32, #tpu.memory_space<hbm>> -> memref<512xi32, #tpu.memory_space<hbm>>
    %dma_start3A_53 = arith.constant 0 : i32
    %dma_start3A_54 = tpu.memref_slice %arg5[%dma_start3A_47, %dma_start3A_53] : memref<2x512xi32, #tpu.memory_space<vmem>> -> memref<1x512xi32, #tpu.memory_space<vmem>>
    %dma_start3A_55 = tpu.memref_squeeze %dma_start3A_54 : memref<1x512xi32, #tpu.memory_space<vmem>> -> memref<512xi32, #tpu.memory_space<vmem>>
    %dma_start3A_56 = tpu.memref_slice %arg2[%shift_right_logical3A_42, %mul3A_46] : memref<200x16384xi32, #tpu.memory_space<hbm>> -> memref<1x512xi32, #tpu.memory_space<hbm>>
    %dma_start3A_57 = tpu.memref_squeeze %dma_start3A_56 : memref<1x512xi32, #tpu.memory_space<hbm>> -> memref<512xi32, #tpu.memory_space<hbm>>
    tpu.enqueue_dma source(%dma_start3A_57 : memref<512xi32, #tpu.memory_space<hbm>>) target(%dma_start3A_55 : memref<512xi32, #tpu.memory_space<vmem>>) target_semaphore(%arg9 : memref<!tpu.dma_semaphore, #tpu.memory_space<semaphore_mem>>)
    %add3A_58 = arith.constant 0 : i32
    %add3A_59 = arith.addi %mul3A_2, %add3A_58 : i32
    %shift_right_logical3A_60 = arith.constant 5 : i32
    %shift_right_logical3A_61 = arith.shrui %add3A_59, %shift_right_logical3A_60 : i32
    %and3A_62 = arith.constant 31 : i32
    %and3A_63 = arith.andi %add3A_59, %and3A_62 : i32
    %mul3A_64 = arith.constant 512 : i32
    %mul3A_65 = arith.muli %and3A_63, %mul3A_64 : i32
    %dma_wait3A = arith.constant 0 : i32
    %dma_wait3A_66 = arith.constant 0 : i32
    %dma_wait3A_67 = tpu.memref_slice %arg5[%dma_wait3A, %dma_wait3A_66] : memref<2x512xi32, #tpu.memory_space<vmem>> -> memref<1x512xi32, #tpu.memory_space<vmem>>
    %dma_wait3A_68 = tpu.memref_squeeze %dma_wait3A_67 : memref<1x512xi32, #tpu.memory_space<vmem>> -> memref<512xi32, #tpu.memory_space<vmem>>
    %dma_wait3A_69 = tpu.memref_slice %arg2[%shift_right_logical3A_61, %mul3A_65] : memref<200x16384xi32, #tpu.memory_space<hbm>> -> memref<1x512xi32, #tpu.memory_space<hbm>>
    %dma_wait3A_70 = tpu.memref_squeeze %dma_wait3A_69 : memref<1x512xi32, #tpu.memory_space<hbm>> -> memref<512xi32, #tpu.memory_space<hbm>>
    %dma_wait3A_71 = arith.constant 0 : i32
    %dma_wait3A_72 = tpu.memref_slice %arg5[%dma_wait3A, %dma_wait3A_71] : memref<2x512xi32, #tpu.memory_space<vmem>> -> memref<1x512xi32, #tpu.memory_space<vmem>>
    %dma_wait3A_73 = tpu.memref_squeeze %dma_wait3A_72 : memref<1x512xi32, #tpu.memory_space<vmem>> -> memref<512xi32, #tpu.memory_space<vmem>>
    %dma_wait3A_74 = tpu.memref_slice %arg2[%shift_right_logical3A_61, %mul3A_65] : memref<200x16384xi32, #tpu.memory_space<hbm>> -> memref<1x512xi32, #tpu.memory_space<hbm>>
    %dma_wait3A_75 = tpu.memref_squeeze %dma_wait3A_74 : memref<1x512xi32, #tpu.memory_space<hbm>> -> memref<512xi32, #tpu.memory_space<hbm>>
    tpu.wait_dma2 semaphore(%arg8 : memref<!tpu.dma_semaphore, #tpu.memory_space<semaphore_mem>>) src(%dma_wait3A_75 : memref<512xi32, #tpu.memory_space<hbm>>) dst(%dma_wait3A_73 : memref<512xi32, #tpu.memory_space<vmem>>)
    %dma_start3A_76 = arith.constant 0 : i32
    %dma_start3A_77 = arith.constant 0 : i32
    %dma_start3A_78 = arith.constant 0 : i32
    %dma_start3A_79 = arith.constant 0 : i32
    %dma_start3A_80 = tpu.memref_slice %arg6[%dma_start3A_77, %dma_start3A_78, %dma_start3A_79] : memref<2x512x32xf32, #tpu.memory_space<vmem>> -> memref<1x512x32xf32, #tpu.memory_space<vmem>>
    %dma_start3A_81 = tpu.memref_squeeze %dma_start3A_80 : memref<1x512x32xf32, #tpu.memory_space<vmem>> -> memref<512x32xf32, #tpu.memory_space<vmem>>
    %dma_start3A_82 = arith.constant 0 : i32
    %dma_start3A_83 = tpu.memref_slice %arg5[%dma_start3A_76, %dma_start3A_82] : memref<2x512xi32, #tpu.memory_space<vmem>> -> memref<1x512xi32, #tpu.memory_space<vmem>>
    %dma_start3A_84 = tpu.memref_squeeze %dma_start3A_83 : memref<1x512xi32, #tpu.memory_space<vmem>> -> memref<512xi32, #tpu.memory_space<vmem>>
    %dma_start3A_85 = arith.constant 0 : i32
    %dma_start3A_86 = arith.constant 0 : i32
    %dma_start3A_87 = tpu.memref_slice %arg3[%dma_start3A_85, %dma_start3A_86] : memref<1000000x32xf32, #tpu.memory_space<hbm>> -> memref<1000000x32xf32, #tpu.memory_space<hbm>>
    tpu.enqueue_indirect_dma source(%dma_start3A_87 : memref<1000000x32xf32, #tpu.memory_space<hbm>>) target(%dma_start3A_81 : memref<512x32xf32, #tpu.memory_space<vmem>>) offsets(%dma_start3A_84 : memref<512xi32, #tpu.memory_space<vmem>>) semaphore(%arg10 : memref<!tpu.dma_semaphore, #tpu.memory_space<semaphore_mem>>)
    %add3A_88 = arith.constant 0 : i32
    %add3A_89 = arith.constant 1 : i32
    %add3A_90 = arith.addi %add3A_88, %add3A_89 : i32
    %min3A = arith.constant 199 : i32
    %min3A_91 = arith.minsi %add3A_90, %min3A : i32
    %add3A_92 = arith.constant 0 : i32
    %add3A_93 = arith.constant 2 : i32
    %add3A_94 = arith.addi %add3A_92, %add3A_93 : i32
    %min3A_95 = arith.constant 199 : i32
    %min3A_96 = arith.minsi %add3A_94, %min3A_95 : i32
    %add3A_97 = arith.addi %mul3A_2, %min3A_91 : i32
    %shift_right_logical3A_98 = arith.constant 5 : i32
    %shift_right_logical3A_99 = arith.shrui %add3A_97, %shift_right_logical3A_98 : i32
    %and3A_100 = arith.constant 31 : i32
    %and3A_101 = arith.andi %add3A_97, %and3A_100 : i32
    %mul3A_102 = arith.constant 512 : i32
    %mul3A_103 = arith.muli %and3A_101, %mul3A_102 : i32
    %dma_wait3A_104 = arith.constant 1 : i32
    %dma_wait3A_105 = arith.constant 0 : i32
    %dma_wait3A_106 = tpu.memref_slice %arg5[%dma_wait3A_104, %dma_wait3A_105] : memref<2x512xi32, #tpu.memory_space<vmem>> -> memref<1x512xi32, #tpu.memory_space<vmem>>
    %dma_wait3A_107 = tpu.memref_squeeze %dma_wait3A_106 : memref<1x512xi32, #tpu.memory_space<vmem>> -> memref<512xi32, #tpu.memory_space<vmem>>
    %dma_wait3A_108 = tpu.memref_slice %arg2[%shift_right_logical3A_99, %mul3A_103] : memref<200x16384xi32, #tpu.memory_space<hbm>> -> memref<1x512xi32, #tpu.memory_space<hbm>>
    %dma_wait3A_109 = tpu.memref_squeeze %dma_wait3A_108 : memref<1x512xi32, #tpu.memory_space<hbm>> -> memref<512xi32, #tpu.memory_space<hbm>>
    %dma_wait3A_110 = arith.constant 0 : i32
    %dma_wait3A_111 = tpu.memref_slice %arg5[%dma_wait3A_104, %dma_wait3A_110] : memref<2x512xi32, #tpu.memory_space<vmem>> -> memref<1x512xi32, #tpu.memory_space<vmem>>
    %dma_wait3A_112 = tpu.memref_squeeze %dma_wait3A_111 : memref<1x512xi32, #tpu.memory_space<vmem>> -> memref<512xi32, #tpu.memory_space<vmem>>
    %dma_wait3A_113 = tpu.memref_slice %arg2[%shift_right_logical3A_99, %mul3A_103] : memref<200x16384xi32, #tpu.memory_space<hbm>> -> memref<1x512xi32, #tpu.memory_space<hbm>>
    %dma_wait3A_114 = tpu.memref_squeeze %dma_wait3A_113 : memref<1x512xi32, #tpu.memory_space<hbm>> -> memref<512xi32, #tpu.memory_space<hbm>>
    tpu.wait_dma2 semaphore(%arg9 : memref<!tpu.dma_semaphore, #tpu.memory_space<semaphore_mem>>) src(%dma_wait3A_114 : memref<512xi32, #tpu.memory_space<hbm>>) dst(%dma_wait3A_112 : memref<512xi32, #tpu.memory_space<vmem>>)
    %dma_start3A_115 = arith.constant 1 : i32
    %dma_start3A_116 = arith.constant 1 : i32
    %dma_start3A_117 = arith.constant 0 : i32
    %dma_start3A_118 = arith.constant 0 : i32
    %dma_start3A_119 = tpu.memref_slice %arg6[%dma_start3A_116, %dma_start3A_117, %dma_start3A_118] : memref<2x512x32xf32, #tpu.memory_space<vmem>> -> memref<1x512x32xf32, #tpu.memory_space<vmem>>
    %dma_start3A_120 = tpu.memref_squeeze %dma_start3A_119 : memref<1x512x32xf32, #tpu.memory_space<vmem>> -> memref<512x32xf32, #tpu.memory_space<vmem>>
    %dma_start3A_121 = arith.constant 0 : i32
    %dma_start3A_122 = tpu.memref_slice %arg5[%dma_start3A_115, %dma_start3A_121] : memref<2x512xi32, #tpu.memory_space<vmem>> -> memref<1x512xi32, #tpu.memory_space<vmem>>
    %dma_start3A_123 = tpu.memref_squeeze %dma_start3A_122 : memref<1x512xi32, #tpu.memory_space<vmem>> -> memref<512xi32, #tpu.memory_space<vmem>>
    %dma_start3A_124 = arith.constant 0 : i32
    %dma_start3A_125 = arith.constant 0 : i32
    %dma_start3A_126 = tpu.memref_slice %arg3[%dma_start3A_124, %dma_start3A_125] : memref<1000000x32xf32, #tpu.memory_space<hbm>> -> memref<1000000x32xf32, #tpu.memory_space<hbm>>
    tpu.enqueue_indirect_dma source(%dma_start3A_126 : memref<1000000x32xf32, #tpu.memory_space<hbm>>) target(%dma_start3A_120 : memref<512x32xf32, #tpu.memory_space<vmem>>) offsets(%dma_start3A_123 : memref<512xi32, #tpu.memory_space<vmem>>) semaphore(%arg11 : memref<!tpu.dma_semaphore, #tpu.memory_space<semaphore_mem>>)
    %dma_wait3A_127 = arith.constant 0 : i32
    %dma_wait3A_128 = arith.constant 0 : i32
    %dma_wait3A_129 = arith.constant 0 : i32
    %dma_wait3A_130 = arith.constant 0 : i32
    %dma_wait3A_131 = tpu.memref_slice %arg6[%dma_wait3A_128, %dma_wait3A_129, %dma_wait3A_130] : memref<2x512x32xf32, #tpu.memory_space<vmem>> -> memref<1x512x32xf32, #tpu.memory_space<vmem>>
    %dma_wait3A_132 = tpu.memref_squeeze %dma_wait3A_131 : memref<1x512x32xf32, #tpu.memory_space<vmem>> -> memref<512x32xf32, #tpu.memory_space<vmem>>
    %dma_wait3A_133 = arith.constant 0 : i32
    %dma_wait3A_134 = tpu.memref_slice %arg5[%dma_wait3A_127, %dma_wait3A_133] : memref<2x512xi32, #tpu.memory_space<vmem>> -> memref<1x512xi32, #tpu.memory_space<vmem>>
    %dma_wait3A_135 = tpu.memref_squeeze %dma_wait3A_134 : memref<1x512xi32, #tpu.memory_space<vmem>> -> memref<512xi32, #tpu.memory_space<vmem>>
    %dma_wait3A_136 = arith.constant 0 : i32
    %dma_wait3A_137 = arith.constant 0 : i32
    %dma_wait3A_138 = tpu.memref_slice %arg3[%dma_wait3A_136, %dma_wait3A_137] : memref<1000000x32xf32, #tpu.memory_space<hbm>> -> memref<1000000x32xf32, #tpu.memory_space<hbm>>
    tpu.wait_indirect_dma semaphore(%arg10 : memref<!tpu.dma_semaphore, #tpu.memory_space<semaphore_mem>>) src(%dma_wait3A_138 : memref<1000000x32xf32, #tpu.memory_space<hbm>>) dst(%dma_wait3A_132 : memref<512x32xf32, #tpu.memory_space<vmem>>)
    %add3A_139 = arith.addi %mul3A_2, %min3A_96 : i32
    %shift_right_logical3A_140 = arith.constant 5 : i32
    %shift_right_logical3A_141 = arith.shrui %add3A_139, %shift_right_logical3A_140 : i32
    %and3A_142 = arith.constant 31 : i32
    %and3A_143 = arith.andi %add3A_139, %and3A_142 : i32
    %mul3A_144 = arith.constant 512 : i32
    %mul3A_145 = arith.muli %and3A_143, %mul3A_144 : i32
    %dma_start3A_146 = arith.constant 0 : i32
    %dma_start3A_147 = arith.constant 0 : i32
    %dma_start3A_148 = tpu.memref_slice %arg5[%dma_start3A_146, %dma_start3A_147] : memref<2x512xi32, #tpu.memory_space<vmem>> -> memref<1x512xi32, #tpu.memory_space<vmem>>
    %dma_start3A_149 = tpu.memref_squeeze %dma_start3A_148 : memref<1x512xi32, #tpu.memory_space<vmem>> -> memref<512xi32, #tpu.memory_space<vmem>>
    %dma_start3A_150 = tpu.memref_slice %arg2[%shift_right_logical3A_141, %mul3A_145] : memref<200x16384xi32, #tpu.memory_space<hbm>> -> memref<1x512xi32, #tpu.memory_space<hbm>>
    %dma_start3A_151 = tpu.memref_squeeze %dma_start3A_150 : memref<1x512xi32, #tpu.memory_space<hbm>> -> memref<512xi32, #tpu.memory_space<hbm>>
    %dma_start3A_152 = arith.constant 0 : i32
    %dma_start3A_153 = tpu.memref_slice %arg5[%dma_start3A_146, %dma_start3A_152] : memref<2x512xi32, #tpu.memory_space<vmem>> -> memref<1x512xi32, #tpu.memory_space<vmem>>
    %dma_start3A_154 = tpu.memref_squeeze %dma_start3A_153 : memref<1x512xi32, #tpu.memory_space<vmem>> -> memref<512xi32, #tpu.memory_space<vmem>>
    %dma_start3A_155 = tpu.memref_slice %arg2[%shift_right_logical3A_141, %mul3A_145] : memref<200x16384xi32, #tpu.memory_space<hbm>> -> memref<1x512xi32, #tpu.memory_space<hbm>>
    %dma_start3A_156 = tpu.memref_squeeze %dma_start3A_155 : memref<1x512xi32, #tpu.memory_space<hbm>> -> memref<512xi32, #tpu.memory_space<hbm>>
    tpu.enqueue_dma source(%dma_start3A_156 : memref<512xi32, #tpu.memory_space<hbm>>) target(%dma_start3A_154 : memref<512xi32, #tpu.memory_space<vmem>>) target_semaphore(%arg8 : memref<!tpu.dma_semaphore, #tpu.memory_space<semaphore_mem>>)
    %add3A_157 = arith.constant 0 : i32
    %add3A_158 = arith.addi %mul3A_2, %add3A_157 : i32
    %shift_right_logical3A_159 = arith.constant 5 : i32
    %shift_right_logical3A_160 = arith.shrui %add3A_158, %shift_right_logical3A_159 : i32
    %and3A_161 = arith.constant 31 : i32
    %and3A_162 = arith.andi %add3A_158, %and3A_161 : i32
    %mul3A_163 = arith.constant 4 : i32
    %mul3A_164 = arith.muli %shift_right_logical3A_160, %mul3A_163 : i32
    %mul3A_165 = arith.constant 128 : i32
    %mul3A_166 = arith.muli %mul3A_164, %mul3A_165 : i32
    %mul3A_167 = arith.constant 4 : i32
    %mul3A_168 = arith.muli %and3A_162, %mul3A_167 : i32
    %add3A_169 = arith.addi %mul3A_166, %mul3A_168 : i32
    %add3A_170 = arith.constant 0 : i32
    %add3A_171 = arith.addi %add3A_169, %add3A_170 : i32
    %mul3A_172 = arith.constant 1024 : i32
    %mul3A_173 = arith.muli %add3A_171, %mul3A_172 : i32
    %add3A_174 = arith.constant 128 : i32
    %add3A_175 = arith.addi %add3A_169, %add3A_174 : i32
    %mul3A_176 = arith.constant 1024 : i32
    %mul3A_177 = arith.muli %add3A_175, %mul3A_176 : i32
    %add3A_178 = arith.constant 256 : i32
    %add3A_179 = arith.addi %add3A_169, %add3A_178 : i32
    %mul3A_180 = arith.constant 1024 : i32
    %mul3A_181 = arith.muli %add3A_179, %mul3A_180 : i32
    %add3A_182 = arith.constant 384 : i32
    %add3A_183 = arith.addi %add3A_169, %add3A_182 : i32
    %mul3A_184 = arith.constant 1024 : i32
    %mul3A_185 = arith.muli %add3A_183, %mul3A_184 : i32
    %dma_start3A_186 = arith.constant 0 : i32
    %dma_start3A_187 = arith.constant 0 : i32
    %dma_start3A_188 = tpu.memref_slice %arg7[%dma_start3A_186, %dma_start3A_187] : memref<2x16384xf32, #tpu.memory_space<vmem>> -> memref<1x4096xf32, #tpu.memory_space<vmem>>
    %dma_start3A_189 = tpu.memref_squeeze %dma_start3A_188 : memref<1x4096xf32, #tpu.memory_space<vmem>> -> memref<4096xf32, #tpu.memory_space<vmem>>
    %dma_start3A_190 = tpu.memref_slice %arg4[%mul3A_173] : memref<104857600xf32, #tpu.memory_space<hbm>> -> memref<4096xf32, #tpu.memory_space<hbm>>
    %dma_start3A_191 = tpu.memref_slice %arg4[%mul3A_173] : memref<104857600xf32, #tpu.memory_space<hbm>> -> memref<4096xf32, #tpu.memory_space<hbm>>
    %dma_start3A_192 = arith.constant 0 : i32
    %dma_start3A_193 = tpu.memref_slice %arg7[%dma_start3A_186, %dma_start3A_192] : memref<2x16384xf32, #tpu.memory_space<vmem>> -> memref<1x4096xf32, #tpu.memory_space<vmem>>
    %dma_start3A_194 = tpu.memref_squeeze %dma_start3A_193 : memref<1x4096xf32, #tpu.memory_space<vmem>> -> memref<4096xf32, #tpu.memory_space<vmem>>
    tpu.enqueue_dma source(%dma_start3A_194 : memref<4096xf32, #tpu.memory_space<vmem>>) target(%dma_start3A_191 : memref<4096xf32, #tpu.memory_space<hbm>>) target_semaphore(%arg12 : memref<!tpu.dma_semaphore, #tpu.memory_space<semaphore_mem>>)
    %dma_start3A_195 = arith.constant 0 : i32
    %dma_start3A_196 = arith.constant 4096 : i32
    %dma_start3A_197 = tpu.memref_slice %arg7[%dma_start3A_195, %dma_start3A_196] : memref<2x16384xf32, #tpu.memory_space<vmem>> -> memref<1x4096xf32, #tpu.memory_space<vmem>>
    %dma_start3A_198 = tpu.memref_squeeze %dma_start3A_197 : memref<1x4096xf32, #tpu.memory_space<vmem>> -> memref<4096xf32, #tpu.memory_space<vmem>>
    %dma_start3A_199 = tpu.memref_slice %arg4[%mul3A_177] : memref<104857600xf32, #tpu.memory_space<hbm>> -> memref<4096xf32, #tpu.memory_space<hbm>>
    %dma_start3A_200 = tpu.memref_slice %arg4[%mul3A_177] : memref<104857600xf32, #tpu.memory_space<hbm>> -> memref<4096xf32, #tpu.memory_space<hbm>>
    %dma_start3A_201 = arith.constant 4096 : i32
    %dma_start3A_202 = tpu.memref_slice %arg7[%dma_start3A_195, %dma_start3A_201] : memref<2x16384xf32, #tpu.memory_space<vmem>> -> memref<1x4096xf32, #tpu.memory_space<vmem>>
    %dma_start3A_203 = tpu.memref_squeeze %dma_start3A_202 : memref<1x4096xf32, #tpu.memory_space<vmem>> -> memref<4096xf32, #tpu.memory_space<vmem>>
    tpu.enqueue_dma source(%dma_start3A_203 : memref<4096xf32, #tpu.memory_space<vmem>>) target(%dma_start3A_200 : memref<4096xf32, #tpu.memory_space<hbm>>) target_semaphore(%arg12 : memref<!tpu.dma_semaphore, #tpu.memory_space<semaphore_mem>>)
    %dma_start3A_204 = arith.constant 0 : i32
    %dma_start3A_205 = arith.constant 8192 : i32
    %dma_start3A_206 = tpu.memref_slice %arg7[%dma_start3A_204, %dma_start3A_205] : memref<2x16384xf32, #tpu.memory_space<vmem>> -> memref<1x4096xf32, #tpu.memory_space<vmem>>
    %dma_start3A_207 = tpu.memref_squeeze %dma_start3A_206 : memref<1x4096xf32, #tpu.memory_space<vmem>> -> memref<4096xf32, #tpu.memory_space<vmem>>
    %dma_start3A_208 = tpu.memref_slice %arg4[%mul3A_181] : memref<104857600xf32, #tpu.memory_space<hbm>> -> memref<4096xf32, #tpu.memory_space<hbm>>
    %dma_start3A_209 = tpu.memref_slice %arg4[%mul3A_181] : memref<104857600xf32, #tpu.memory_space<hbm>> -> memref<4096xf32, #tpu.memory_space<hbm>>
    %dma_start3A_210 = arith.constant 8192 : i32
    %dma_start3A_211 = tpu.memref_slice %arg7[%dma_start3A_204, %dma_start3A_210] : memref<2x16384xf32, #tpu.memory_space<vmem>> -> memref<1x4096xf32, #tpu.memory_space<vmem>>
    %dma_start3A_212 = tpu.memref_squeeze %dma_start3A_211 : memref<1x4096xf32, #tpu.memory_space<vmem>> -> memref<4096xf32, #tpu.memory_space<vmem>>
    tpu.enqueue_dma source(%dma_start3A_212 : memref<4096xf32, #tpu.memory_space<vmem>>) target(%dma_start3A_209 : memref<4096xf32, #tpu.memory_space<hbm>>) target_semaphore(%arg12 : memref<!tpu.dma_semaphore, #tpu.memory_space<semaphore_mem>>)
    %dma_start3A_213 = arith.constant 0 : i32
    %dma_start3A_214 = arith.constant 12288 : i32
    %dma_start3A_215 = tpu.memref_slice %arg7[%dma_start3A_213, %dma_start3A_214] : memref<2x16384xf32, #tpu.memory_space<vmem>> -> memref<1x4096xf32, #tpu.memory_space<vmem>>
    %dma_start3A_216 = tpu.memref_squeeze %dma_start3A_215 : memref<1x4096xf32, #tpu.memory_space<vmem>> -> memref<4096xf32, #tpu.memory_space<vmem>>
    %dma_start3A_217 = tpu.memref_slice %arg4[%mul3A_185] : memref<104857600xf32, #tpu.memory_space<hbm>> -> memref<4096xf32, #tpu.memory_space<hbm>>
    %dma_start3A_218 = tpu.memref_slice %arg4[%mul3A_185] : memref<104857600xf32, #tpu.memory_space<hbm>> -> memref<4096xf32, #tpu.memory_space<hbm>>
    %dma_start3A_219 = arith.constant 12288 : i32
    %dma_start3A_220 = tpu.memref_slice %arg7[%dma_start3A_213, %dma_start3A_219] : memref<2x16384xf32, #tpu.memory_space<vmem>> -> memref<1x4096xf32, #tpu.memory_space<vmem>>
    %dma_start3A_221 = tpu.memref_squeeze %dma_start3A_220 : memref<1x4096xf32, #tpu.memory_space<vmem>> -> memref<4096xf32, #tpu.memory_space<vmem>>
    tpu.enqueue_dma source(%dma_start3A_221 : memref<4096xf32, #tpu.memory_space<vmem>>) target(%dma_start3A_218 : memref<4096xf32, #tpu.memory_space<hbm>>) target_semaphore(%arg12 : memref<!tpu.dma_semaphore, #tpu.memory_space<semaphore_mem>>)
    %add3A_222 = arith.constant 1 : i32
    %add3A_223 = arith.constant 1 : i32
    %add3A_224 = arith.addi %add3A_222, %add3A_223 : i32
    %min3A_225 = arith.constant 199 : i32
    %min3A_226 = arith.minsi %add3A_224, %min3A_225 : i32
    %add3A_227 = arith.constant 1 : i32
    %add3A_228 = arith.constant 2 : i32
    %add3A_229 = arith.addi %add3A_227, %add3A_228 : i32
    %min3A_230 = arith.constant 199 : i32
    %min3A_231 = arith.minsi %add3A_229, %min3A_230 : i32
    %add3A_232 = arith.addi %mul3A_2, %min3A_226 : i32
    %shift_right_logical3A_233 = arith.constant 5 : i32
    %shift_right_logical3A_234 = arith.shrui %add3A_232, %shift_right_logical3A_233 : i32
    %and3A_235 = arith.constant 31 : i32
    %and3A_236 = arith.andi %add3A_232, %and3A_235 : i32
    %mul3A_237 = arith.constant 512 : i32
    %mul3A_238 = arith.muli %and3A_236, %mul3A_237 : i32
    %dma_wait3A_239 = arith.constant 0 : i32
    %dma_wait3A_240 = arith.constant 0 : i32
    %dma_wait3A_241 = tpu.memref_slice %arg5[%dma_wait3A_239, %dma_wait3A_240] : memref<2x512xi32, #tpu.memory_space<vmem>> -> memref<1x512xi32, #tpu.memory_space<vmem>>
    %dma_wait3A_242 = tpu.memref_squeeze %dma_wait3A_241 : memref<1x512xi32, #tpu.memory_space<vmem>> -> memref<512xi32, #tpu.memory_space<vmem>>
    %dma_wait3A_243 = tpu.memref_slice %arg2[%shift_right_logical3A_234, %mul3A_238] : memref<200x16384xi32, #tpu.memory_space<hbm>> -> memref<1x512xi32, #tpu.memory_space<hbm>>
    %dma_wait3A_244 = tpu.memref_squeeze %dma_wait3A_243 : memref<1x512xi32, #tpu.memory_space<hbm>> -> memref<512xi32, #tpu.memory_space<hbm>>
    %dma_wait3A_245 = arith.constant 0 : i32
    %dma_wait3A_246 = tpu.memref_slice %arg5[%dma_wait3A_239, %dma_wait3A_245] : memref<2x512xi32, #tpu.memory_space<vmem>> -> memref<1x512xi32, #tpu.memory_space<vmem>>
    %dma_wait3A_247 = tpu.memref_squeeze %dma_wait3A_246 : memref<1x512xi32, #tpu.memory_space<vmem>> -> memref<512xi32, #tpu.memory_space<vmem>>
    %dma_wait3A_248 = tpu.memref_slice %arg2[%shift_right_logical3A_234, %mul3A_238] : memref<200x16384xi32, #tpu.memory_space<hbm>> -> memref<1x512xi32, #tpu.memory_space<hbm>>
    %dma_wait3A_249 = tpu.memref_squeeze %dma_wait3A_248 : memref<1x512xi32, #tpu.memory_space<hbm>> -> memref<512xi32, #tpu.memory_space<hbm>>
    tpu.wait_dma2 semaphore(%arg8 : memref<!tpu.dma_semaphore, #tpu.memory_space<semaphore_mem>>) src(%dma_wait3A_249 : memref<512xi32, #tpu.memory_space<hbm>>) dst(%dma_wait3A_247 : memref<512xi32, #tpu.memory_space<vmem>>)
    %dma_start3A_250 = arith.constant 0 : i32
    %dma_start3A_251 = arith.constant 0 : i32
    %dma_start3A_252 = arith.constant 0 : i32
    %dma_start3A_253 = arith.constant 0 : i32
    %dma_start3A_254 = tpu.memref_slice %arg6[%dma_start3A_251, %dma_start3A_252, %dma_start3A_253] : memref<2x512x32xf32, #tpu.memory_space<vmem>> -> memref<1x512x32xf32, #tpu.memory_space<vmem>>
    %dma_start3A_255 = tpu.memref_squeeze %dma_start3A_254 : memref<1x512x32xf32, #tpu.memory_space<vmem>> -> memref<512x32xf32, #tpu.memory_space<vmem>>
    %dma_start3A_256 = arith.constant 0 : i32
    %dma_start3A_257 = tpu.memref_slice %arg5[%dma_start3A_250, %dma_start3A_256] : memref<2x512xi32, #tpu.memory_space<vmem>> -> memref<1x512xi32, #tpu.memory_space<vmem>>
    %dma_start3A_258 = tpu.memref_squeeze %dma_start3A_257 : memref<1x512xi32, #tpu.memory_space<vmem>> -> memref<512xi32, #tpu.memory_space<vmem>>
    %dma_start3A_259 = arith.constant 0 : i32
    %dma_start3A_260 = arith.constant 0 : i32
    %dma_start3A_261 = tpu.memref_slice %arg3[%dma_start3A_259, %dma_start3A_260] : memref<1000000x32xf32, #tpu.memory_space<hbm>> -> memref<1000000x32xf32, #tpu.memory_space<hbm>>
    tpu.enqueue_indirect_dma source(%dma_start3A_261 : memref<1000000x32xf32, #tpu.memory_space<hbm>>) target(%dma_start3A_255 : memref<512x32xf32, #tpu.memory_space<vmem>>) offsets(%dma_start3A_258 : memref<512xi32, #tpu.memory_space<vmem>>) semaphore(%arg10 : memref<!tpu.dma_semaphore, #tpu.memory_space<semaphore_mem>>)
    %dma_wait3A_262 = arith.constant 1 : i32
    %dma_wait3A_263 = arith.constant 1 : i32
    %dma_wait3A_264 = arith.constant 0 : i32
    %dma_wait3A_265 = arith.constant 0 : i32
    %dma_wait3A_266 = tpu.memref_slice %arg6[%dma_wait3A_263, %dma_wait3A_264, %dma_wait3A_265] : memref<2x512x32xf32, #tpu.memory_space<vmem>> -> memref<1x512x32xf32, #tpu.memory_space<vmem>>
    %dma_wait3A_267 = tpu.memref_squeeze %dma_wait3A_266 : memref<1x512x32xf32, #tpu.memory_space<vmem>> -> memref<512x32xf32, #tpu.memory_space<vmem>>
    %dma_wait3A_268 = arith.constant 0 : i32
    %dma_wait3A_269 = tpu.memref_slice %arg5[%dma_wait3A_262, %dma_wait3A_268] : memref<2x512xi32, #tpu.memory_space<vmem>> -> memref<1x512xi32, #tpu.memory_space<vmem>>
    %dma_wait3A_270 = tpu.memref_squeeze %dma_wait3A_269 : memref<1x512xi32, #tpu.memory_space<vmem>> -> memref<512xi32, #tpu.memory_space<vmem>>
    %dma_wait3A_271 = arith.constant 0 : i32
    %dma_wait3A_272 = arith.constant 0 : i32
    %dma_wait3A_273 = tpu.memref_slice %arg3[%dma_wait3A_271, %dma_wait3A_272] : memref<1000000x32xf32, #tpu.memory_space<hbm>> -> memref<1000000x32xf32, #tpu.memory_space<hbm>>
    tpu.wait_indirect_dma semaphore(%arg11 : memref<!tpu.dma_semaphore, #tpu.memory_space<semaphore_mem>>) src(%dma_wait3A_273 : memref<1000000x32xf32, #tpu.memory_space<hbm>>) dst(%dma_wait3A_267 : memref<512x32xf32, #tpu.memory_space<vmem>>)
    %add3A_274 = arith.addi %mul3A_2, %min3A_231 : i32
    %shift_right_logical3A_275 = arith.constant 5 : i32
    %shift_right_logical3A_276 = arith.shrui %add3A_274, %shift_right_logical3A_275 : i32
    %and3A_277 = arith.constant 31 : i32
    %and3A_278 = arith.andi %add3A_274, %and3A_277 : i32
    %mul3A_279 = arith.constant 512 : i32
    %mul3A_280 = arith.muli %and3A_278, %mul3A_279 : i32
    %dma_start3A_281 = arith.constant 1 : i32
    %dma_start3A_282 = arith.constant 0 : i32
    %dma_start3A_283 = tpu.memref_slice %arg5[%dma_start3A_281, %dma_start3A_282] : memref<2x512xi32, #tpu.memory_space<vmem>> -> memref<1x512xi32, #tpu.memory_space<vmem>>
    %dma_start3A_284 = tpu.memref_squeeze %dma_start3A_283 : memref<1x512xi32, #tpu.memory_space<vmem>> -> memref<512xi32, #tpu.memory_space<vmem>>
    %dma_start3A_285 = tpu.memref_slice %arg2[%shift_right_logical3A_276, %mul3A_280] : memref<200x16384xi32, #tpu.memory_space<hbm>> -> memref<1x512xi32, #tpu.memory_space<hbm>>
    %dma_start3A_286 = tpu.memref_squeeze %dma_start3A_285 : memref<1x512xi32, #tpu.memory_space<hbm>> -> memref<512xi32, #tpu.memory_space<hbm>>
    %dma_start3A_287 = arith.constant 0 : i32
    %dma_start3A_288 = tpu.memref_slice %arg5[%dma_start3A_281, %dma_start3A_287] : memref<2x512xi32, #tpu.memory_space<vmem>> -> memref<1x512xi32, #tpu.memory_space<vmem>>
    %dma_start3A_289 = tpu.memref_squeeze %dma_start3A_288 : memref<1x512xi32, #tpu.memory_space<vmem>> -> memref<512xi32, #tpu.memory_space<vmem>>
    %dma_start3A_290 = tpu.memref_slice %arg2[%shift_right_logical3A_276, %mul3A_280] : memref<200x16384xi32, #tpu.memory_space<hbm>> -> memref<1x512xi32, #tpu.memory_space<hbm>>
    %dma_start3A_291 = tpu.memref_squeeze %dma_start3A_290 : memref<1x512xi32, #tpu.memory_space<hbm>> -> memref<512xi32, #tpu.memory_space<hbm>>
    tpu.enqueue_dma source(%dma_start3A_291 : memref<512xi32, #tpu.memory_space<hbm>>) target(%dma_start3A_289 : memref<512xi32, #tpu.memory_space<vmem>>) target_semaphore(%arg9 : memref<!tpu.dma_semaphore, #tpu.memory_space<semaphore_mem>>)
    %add3A_292 = arith.constant 1 : i32
    %add3A_293 = arith.addi %mul3A_2, %add3A_292 : i32
    %shift_right_logical3A_294 = arith.constant 5 : i32
    %shift_right_logical3A_295 = arith.shrui %add3A_293, %shift_right_logical3A_294 : i32
    %and3A_296 = arith.constant 31 : i32
    %and3A_297 = arith.andi %add3A_293, %and3A_296 : i32
    %mul3A_298 = arith.constant 4 : i32
    %mul3A_299 = arith.muli %shift_right_logical3A_295, %mul3A_298 : i32
    %mul3A_300 = arith.constant 128 : i32
    %mul3A_301 = arith.muli %mul3A_299, %mul3A_300 : i32
    %mul3A_302 = arith.constant 4 : i32
    %mul3A_303 = arith.muli %and3A_297, %mul3A_302 : i32
    %add3A_304 = arith.addi %mul3A_301, %mul3A_303 : i32
    %add3A_305 = arith.constant 0 : i32
    %add3A_306 = arith.addi %add3A_304, %add3A_305 : i32
    %mul3A_307 = arith.constant 1024 : i32
    %mul3A_308 = arith.muli %add3A_306, %mul3A_307 : i32
    %add3A_309 = arith.constant 128 : i32
    %add3A_310 = arith.addi %add3A_304, %add3A_309 : i32
    %mul3A_311 = arith.constant 1024 : i32
    %mul3A_312 = arith.muli %add3A_310, %mul3A_311 : i32
    %add3A_313 = arith.constant 256 : i32
    %add3A_314 = arith.addi %add3A_304, %add3A_313 : i32
    %mul3A_315 = arith.constant 1024 : i32
    %mul3A_316 = arith.muli %add3A_314, %mul3A_315 : i32
    %add3A_317 = arith.constant 384 : i32
    %add3A_318 = arith.addi %add3A_304, %add3A_317 : i32
    %mul3A_319 = arith.constant 1024 : i32
    %mul3A_320 = arith.muli %add3A_318, %mul3A_319 : i32
    %dma_start3A_321 = arith.constant 1 : i32
    %dma_start3A_322 = arith.constant 0 : i32
    %dma_start3A_323 = tpu.memref_slice %arg7[%dma_start3A_321, %dma_start3A_322] : memref<2x16384xf32, #tpu.memory_space<vmem>> -> memref<1x4096xf32, #tpu.memory_space<vmem>>
    %dma_start3A_324 = tpu.memref_squeeze %dma_start3A_323 : memref<1x4096xf32, #tpu.memory_space<vmem>> -> memref<4096xf32, #tpu.memory_space<vmem>>
    %dma_start3A_325 = tpu.memref_slice %arg4[%mul3A_308] : memref<104857600xf32, #tpu.memory_space<hbm>> -> memref<4096xf32, #tpu.memory_space<hbm>>
    %dma_start3A_326 = tpu.memref_slice %arg4[%mul3A_308] : memref<104857600xf32, #tpu.memory_space<hbm>> -> memref<4096xf32, #tpu.memory_space<hbm>>
    %dma_start3A_327 = arith.constant 0 : i32
    %dma_start3A_328 = tpu.memref_slice %arg7[%dma_start3A_321, %dma_start3A_327] : memref<2x16384xf32, #tpu.memory_space<vmem>> -> memref<1x4096xf32, #tpu.memory_space<vmem>>
    %dma_start3A_329 = tpu.memref_squeeze %dma_start3A_328 : memref<1x4096xf32, #tpu.memory_space<vmem>> -> memref<4096xf32, #tpu.memory_space<vmem>>
    tpu.enqueue_dma source(%dma_start3A_329 : memref<4096xf32, #tpu.memory_space<vmem>>) target(%dma_start3A_326 : memref<4096xf32, #tpu.memory_space<hbm>>) target_semaphore(%arg13 : memref<!tpu.dma_semaphore, #tpu.memory_space<semaphore_mem>>)
    %dma_start3A_330 = arith.constant 1 : i32
    %dma_start3A_331 = arith.constant 4096 : i32
    %dma_start3A_332 = tpu.memref_slice %arg7[%dma_start3A_330, %dma_start3A_331] : memref<2x16384xf32, #tpu.memory_space<vmem>> -> memref<1x4096xf32, #tpu.memory_space<vmem>>
    %dma_start3A_333 = tpu.memref_squeeze %dma_start3A_332 : memref<1x4096xf32, #tpu.memory_space<vmem>> -> memref<4096xf32, #tpu.memory_space<vmem>>
    %dma_start3A_334 = tpu.memref_slice %arg4[%mul3A_312] : memref<104857600xf32, #tpu.memory_space<hbm>> -> memref<4096xf32, #tpu.memory_space<hbm>>
    %dma_start3A_335 = tpu.memref_slice %arg4[%mul3A_312] : memref<104857600xf32, #tpu.memory_space<hbm>> -> memref<4096xf32, #tpu.memory_space<hbm>>
    %dma_start3A_336 = arith.constant 4096 : i32
    %dma_start3A_337 = tpu.memref_slice %arg7[%dma_start3A_330, %dma_start3A_336] : memref<2x16384xf32, #tpu.memory_space<vmem>> -> memref<1x4096xf32, #tpu.memory_space<vmem>>
    %dma_start3A_338 = tpu.memref_squeeze %dma_start3A_337 : memref<1x4096xf32, #tpu.memory_space<vmem>> -> memref<4096xf32, #tpu.memory_space<vmem>>
    tpu.enqueue_dma source(%dma_start3A_338 : memref<4096xf32, #tpu.memory_space<vmem>>) target(%dma_start3A_335 : memref<4096xf32, #tpu.memory_space<hbm>>) target_semaphore(%arg13 : memref<!tpu.dma_semaphore, #tpu.memory_space<semaphore_mem>>)
    %dma_start3A_339 = arith.constant 1 : i32
    %dma_start3A_340 = arith.constant 8192 : i32
    %dma_start3A_341 = tpu.memref_slice %arg7[%dma_start3A_339, %dma_start3A_340] : memref<2x16384xf32, #tpu.memory_space<vmem>> -> memref<1x4096xf32, #tpu.memory_space<vmem>>
    %dma_start3A_342 = tpu.memref_squeeze %dma_start3A_341 : memref<1x4096xf32, #tpu.memory_space<vmem>> -> memref<4096xf32, #tpu.memory_space<vmem>>
    %dma_start3A_343 = tpu.memref_slice %arg4[%mul3A_316] : memref<104857600xf32, #tpu.memory_space<hbm>> -> memref<4096xf32, #tpu.memory_space<hbm>>
    %dma_start3A_344 = tpu.memref_slice %arg4[%mul3A_316] : memref<104857600xf32, #tpu.memory_space<hbm>> -> memref<4096xf32, #tpu.memory_space<hbm>>
    %dma_start3A_345 = arith.constant 8192 : i32
    %dma_start3A_346 = tpu.memref_slice %arg7[%dma_start3A_339, %dma_start3A_345] : memref<2x16384xf32, #tpu.memory_space<vmem>> -> memref<1x4096xf32, #tpu.memory_space<vmem>>
    %dma_start3A_347 = tpu.memref_squeeze %dma_start3A_346 : memref<1x4096xf32, #tpu.memory_space<vmem>> -> memref<4096xf32, #tpu.memory_space<vmem>>
    tpu.enqueue_dma source(%dma_start3A_347 : memref<4096xf32, #tpu.memory_space<vmem>>) target(%dma_start3A_344 : memref<4096xf32, #tpu.memory_space<hbm>>) target_semaphore(%arg13 : memref<!tpu.dma_semaphore, #tpu.memory_space<semaphore_mem>>)
    %dma_start3A_348 = arith.constant 1 : i32
    %dma_start3A_349 = arith.constant 12288 : i32
    %dma_start3A_350 = tpu.memref_slice %arg7[%dma_start3A_348, %dma_start3A_349] : memref<2x16384xf32, #tpu.memory_space<vmem>> -> memref<1x4096xf32, #tpu.memory_space<vmem>>
    %dma_start3A_351 = tpu.memref_squeeze %dma_start3A_350 : memref<1x4096xf32, #tpu.memory_space<vmem>> -> memref<4096xf32, #tpu.memory_space<vmem>>
    %dma_start3A_352 = tpu.memref_slice %arg4[%mul3A_320] : memref<104857600xf32, #tpu.memory_space<hbm>> -> memref<4096xf32, #tpu.memory_space<hbm>>
    %dma_start3A_353 = tpu.memref_slice %arg4[%mul3A_320] : memref<104857600xf32, #tpu.memory_space<hbm>> -> memref<4096xf32, #tpu.memory_space<hbm>>
    %dma_start3A_354 = arith.constant 12288 : i32
    %dma_start3A_355 = tpu.memref_slice %arg7[%dma_start3A_348, %dma_start3A_354] : memref<2x16384xf32, #tpu.memory_space<vmem>> -> memref<1x4096xf32, #tpu.memory_space<vmem>>
    %dma_start3A_356 = tpu.memref_squeeze %dma_start3A_355 : memref<1x4096xf32, #tpu.memory_space<vmem>> -> memref<4096xf32, #tpu.memory_space<vmem>>
    tpu.enqueue_dma source(%dma_start3A_356 : memref<4096xf32, #tpu.memory_space<vmem>>) target(%dma_start3A_353 : memref<4096xf32, #tpu.memory_space<hbm>>) target_semaphore(%arg13 : memref<!tpu.dma_semaphore, #tpu.memory_space<semaphore_mem>>)
    %scan3A = arith.constant 0 : i32
    %scan3A_357 = arith.constant 1 : i32
    %scan3A_358 = arith.constant 99 : i32
    %scan3A_359 = arith.addi %scan3A_357, %scan3A_358 : i32
    %scan3A_360 = arith.constant 1 : i32
    scf.for %scan3A_523 = %scan3A_357 to %scan3A_359 step %scan3A_360  : i32 {
      %mul3A_524 = arith.constant 2 : i32
      %mul3A_525 = arith.muli %mul3A_524, %scan3A_523 : i32
      %add3A_526 = arith.constant 1 : i32
      %add3A_527 = arith.addi %mul3A_525, %add3A_526 : i32
      %min3A_528 = arith.constant 199 : i32
      %min3A_529 = arith.minsi %add3A_527, %min3A_528 : i32
      %add3A_530 = arith.constant 2 : i32
      %add3A_531 = arith.addi %mul3A_525, %add3A_530 : i32
      %min3A_532 = arith.constant 199 : i32
      %min3A_533 = arith.minsi %add3A_531, %min3A_532 : i32
      %add3A_534 = arith.addi %mul3A_2, %min3A_529 : i32
      %shift_right_logical3A_535 = arith.constant 5 : i32
      %shift_right_logical3A_536 = arith.shrui %add3A_534, %shift_right_logical3A_535 : i32
      %and3A_537 = arith.constant 31 : i32
      %and3A_538 = arith.andi %add3A_534, %and3A_537 : i32
      %mul3A_539 = arith.constant 512 : i32
      %mul3A_540 = arith.muli %and3A_538, %mul3A_539 : i32
      %dma_wait3A_541 = arith.constant 1 : i32
      %dma_wait3A_542 = arith.constant 0 : i32
      %dma_wait3A_543 = tpu.memref_slice %arg5[%dma_wait3A_541, %dma_wait3A_542] : memref<2x512xi32, #tpu.memory_space<vmem>> -> memref<1x512xi32, #tpu.memory_space<vmem>>
      %dma_wait3A_544 = tpu.memref_squeeze %dma_wait3A_543 : memref<1x512xi32, #tpu.memory_space<vmem>> -> memref<512xi32, #tpu.memory_space<vmem>>
      %dma_wait3A_545 = tpu.memref_slice %arg2[%shift_right_logical3A_536, %mul3A_540] : memref<200x16384xi32, #tpu.memory_space<hbm>> -> memref<1x512xi32, #tpu.memory_space<hbm>>
      %dma_wait3A_546 = tpu.memref_squeeze %dma_wait3A_545 : memref<1x512xi32, #tpu.memory_space<hbm>> -> memref<512xi32, #tpu.memory_space<hbm>>
      %dma_wait3A_547 = arith.constant 0 : i32
      %dma_wait3A_548 = tpu.memref_slice %arg5[%dma_wait3A_541, %dma_wait3A_547] : memref<2x512xi32, #tpu.memory_space<vmem>> -> memref<1x512xi32, #tpu.memory_space<vmem>>
      %dma_wait3A_549 = tpu.memref_squeeze %dma_wait3A_548 : memref<1x512xi32, #tpu.memory_space<vmem>> -> memref<512xi32, #tpu.memory_space<vmem>>
      %dma_wait3A_550 = tpu.memref_slice %arg2[%shift_right_logical3A_536, %mul3A_540] : memref<200x16384xi32, #tpu.memory_space<hbm>> -> memref<1x512xi32, #tpu.memory_space<hbm>>
      %dma_wait3A_551 = tpu.memref_squeeze %dma_wait3A_550 : memref<1x512xi32, #tpu.memory_space<hbm>> -> memref<512xi32, #tpu.memory_space<hbm>>
      tpu.wait_dma2 semaphore(%arg9 : memref<!tpu.dma_semaphore, #tpu.memory_space<semaphore_mem>>) src(%dma_wait3A_551 : memref<512xi32, #tpu.memory_space<hbm>>) dst(%dma_wait3A_549 : memref<512xi32, #tpu.memory_space<vmem>>)
      %dma_start3A_552 = arith.constant 1 : i32
      %dma_start3A_553 = arith.constant 1 : i32
      %dma_start3A_554 = arith.constant 0 : i32
      %dma_start3A_555 = arith.constant 0 : i32
      %dma_start3A_556 = tpu.memref_slice %arg6[%dma_start3A_553, %dma_start3A_554, %dma_start3A_555] : memref<2x512x32xf32, #tpu.memory_space<vmem>> -> memref<1x512x32xf32, #tpu.memory_space<vmem>>
      %dma_start3A_557 = tpu.memref_squeeze %dma_start3A_556 : memref<1x512x32xf32, #tpu.memory_space<vmem>> -> memref<512x32xf32, #tpu.memory_space<vmem>>
      %dma_start3A_558 = arith.constant 0 : i32
      %dma_start3A_559 = tpu.memref_slice %arg5[%dma_start3A_552, %dma_start3A_558] : memref<2x512xi32, #tpu.memory_space<vmem>> -> memref<1x512xi32, #tpu.memory_space<vmem>>
      %dma_start3A_560 = tpu.memref_squeeze %dma_start3A_559 : memref<1x512xi32, #tpu.memory_space<vmem>> -> memref<512xi32, #tpu.memory_space<vmem>>
      %dma_start3A_561 = arith.constant 0 : i32
      %dma_start3A_562 = arith.constant 0 : i32
      %dma_start3A_563 = tpu.memref_slice %arg3[%dma_start3A_561, %dma_start3A_562] : memref<1000000x32xf32, #tpu.memory_space<hbm>> -> memref<1000000x32xf32, #tpu.memory_space<hbm>>
      tpu.enqueue_indirect_dma source(%dma_start3A_563 : memref<1000000x32xf32, #tpu.memory_space<hbm>>) target(%dma_start3A_557 : memref<512x32xf32, #tpu.memory_space<vmem>>) offsets(%dma_start3A_560 : memref<512xi32, #tpu.memory_space<vmem>>) semaphore(%arg11 : memref<!tpu.dma_semaphore, #tpu.memory_space<semaphore_mem>>)
      %dma_wait3A_564 = arith.constant 0 : i32
      %dma_wait3A_565 = arith.constant 0 : i32
      %dma_wait3A_566 = arith.constant 0 : i32
      %dma_wait3A_567 = arith.constant 0 : i32
      %dma_wait3A_568 = tpu.memref_slice %arg6[%dma_wait3A_565, %dma_wait3A_566, %dma_wait3A_567] : memref<2x512x32xf32, #tpu.memory_space<vmem>> -> memref<1x512x32xf32, #tpu.memory_space<vmem>>
      %dma_wait3A_569 = tpu.memref_squeeze %dma_wait3A_568 : memref<1x512x32xf32, #tpu.memory_space<vmem>> -> memref<512x32xf32, #tpu.memory_space<vmem>>
      %dma_wait3A_570 = arith.constant 0 : i32
      %dma_wait3A_571 = tpu.memref_slice %arg5[%dma_wait3A_564, %dma_wait3A_570] : memref<2x512xi32, #tpu.memory_space<vmem>> -> memref<1x512xi32, #tpu.memory_space<vmem>>
      %dma_wait3A_572 = tpu.memref_squeeze %dma_wait3A_571 : memref<1x512xi32, #tpu.memory_space<vmem>> -> memref<512xi32, #tpu.memory_space<vmem>>
      %dma_wait3A_573 = arith.constant 0 : i32
      %dma_wait3A_574 = arith.constant 0 : i32
      %dma_wait3A_575 = tpu.memref_slice %arg3[%dma_wait3A_573, %dma_wait3A_574] : memref<1000000x32xf32, #tpu.memory_space<hbm>> -> memref<1000000x32xf32, #tpu.memory_space<hbm>>
      tpu.wait_indirect_dma semaphore(%arg10 : memref<!tpu.dma_semaphore, #tpu.memory_space<semaphore_mem>>) src(%dma_wait3A_575 : memref<1000000x32xf32, #tpu.memory_space<hbm>>) dst(%dma_wait3A_569 : memref<512x32xf32, #tpu.memory_space<vmem>>)
      %add3A_576 = arith.addi %mul3A_2, %min3A_533 : i32
      %shift_right_logical3A_577 = arith.constant 5 : i32
      %shift_right_logical3A_578 = arith.shrui %add3A_576, %shift_right_logical3A_577 : i32
      %and3A_579 = arith.constant 31 : i32
      %and3A_580 = arith.andi %add3A_576, %and3A_579 : i32
      %mul3A_581 = arith.constant 512 : i32
      %mul3A_582 = arith.muli %and3A_580, %mul3A_581 : i32
      %dma_start3A_583 = arith.constant 0 : i32
      %dma_start3A_584 = arith.constant 0 : i32
      %dma_start3A_585 = tpu.memref_slice %arg5[%dma_start3A_583, %dma_start3A_584] : memref<2x512xi32, #tpu.memory_space<vmem>> -> memref<1x512xi32, #tpu.memory_space<vmem>>
      %dma_start3A_586 = tpu.memref_squeeze %dma_start3A_585 : memref<1x512xi32, #tpu.memory_space<vmem>> -> memref<512xi32, #tpu.memory_space<vmem>>
      %dma_start3A_587 = tpu.memref_slice %arg2[%shift_right_logical3A_578, %mul3A_582] : memref<200x16384xi32, #tpu.memory_space<hbm>> -> memref<1x512xi32, #tpu.memory_space<hbm>>
      %dma_start3A_588 = tpu.memref_squeeze %dma_start3A_587 : memref<1x512xi32, #tpu.memory_space<hbm>> -> memref<512xi32, #tpu.memory_space<hbm>>
      %dma_start3A_589 = arith.constant 0 : i32
      %dma_start3A_590 = tpu.memref_slice %arg5[%dma_start3A_583, %dma_start3A_589] : memref<2x512xi32, #tpu.memory_space<vmem>> -> memref<1x512xi32, #tpu.memory_space<vmem>>
      %dma_start3A_591 = tpu.memref_squeeze %dma_start3A_590 : memref<1x512xi32, #tpu.memory_space<vmem>> -> memref<512xi32, #tpu.memory_space<vmem>>
      %dma_start3A_592 = tpu.memref_slice %arg2[%shift_right_logical3A_578, %mul3A_582] : memref<200x16384xi32, #tpu.memory_space<hbm>> -> memref<1x512xi32, #tpu.memory_space<hbm>>
      %dma_start3A_593 = tpu.memref_squeeze %dma_start3A_592 : memref<1x512xi32, #tpu.memory_space<hbm>> -> memref<512xi32, #tpu.memory_space<hbm>>
      tpu.enqueue_dma source(%dma_start3A_593 : memref<512xi32, #tpu.memory_space<hbm>>) target(%dma_start3A_591 : memref<512xi32, #tpu.memory_space<vmem>>) target_semaphore(%arg8 : memref<!tpu.dma_semaphore, #tpu.memory_space<semaphore_mem>>)
      %add3A_594 = arith.addi %mul3A_2, %mul3A_525 : i32
      %shift_right_logical3A_595 = arith.constant 5 : i32
      %shift_right_logical3A_596 = arith.shrui %add3A_594, %shift_right_logical3A_595 : i32
      %and3A_597 = arith.constant 31 : i32
      %and3A_598 = arith.andi %add3A_594, %and3A_597 : i32
      %mul3A_599 = arith.constant 4 : i32
      %mul3A_600 = arith.muli %shift_right_logical3A_596, %mul3A_599 : i32
      %mul3A_601 = arith.constant 128 : i32
      %mul3A_602 = arith.muli %mul3A_600, %mul3A_601 : i32
      %mul3A_603 = arith.constant 4 : i32
      %mul3A_604 = arith.muli %and3A_598, %mul3A_603 : i32
      %add3A_605 = arith.addi %mul3A_602, %mul3A_604 : i32
      %add3A_606 = arith.constant 0 : i32
      %add3A_607 = arith.addi %add3A_605, %add3A_606 : i32
      %mul3A_608 = arith.constant 1024 : i32
      %mul3A_609 = arith.muli %add3A_607, %mul3A_608 : i32
      %add3A_610 = arith.constant 128 : i32
      %add3A_611 = arith.addi %add3A_605, %add3A_610 : i32
      %mul3A_612 = arith.constant 1024 : i32
      %mul3A_613 = arith.muli %add3A_611, %mul3A_612 : i32
      %add3A_614 = arith.constant 256 : i32
      %add3A_615 = arith.addi %add3A_605, %add3A_614 : i32
      %mul3A_616 = arith.constant 1024 : i32
      %mul3A_617 = arith.muli %add3A_615, %mul3A_616 : i32
      %add3A_618 = arith.constant 384 : i32
      %add3A_619 = arith.addi %add3A_605, %add3A_618 : i32
      %mul3A_620 = arith.constant 1024 : i32
      %mul3A_621 = arith.muli %add3A_619, %mul3A_620 : i32
      %dma_wait3A_622 = arith.constant 0 : i32
      %dma_wait3A_623 = arith.constant 0 : i32
      %dma_wait3A_624 = tpu.memref_slice %arg7[%dma_wait3A_622, %dma_wait3A_623] : memref<2x16384xf32, #tpu.memory_space<vmem>> -> memref<1x4096xf32, #tpu.memory_space<vmem>>
      %dma_wait3A_625 = tpu.memref_squeeze %dma_wait3A_624 : memref<1x4096xf32, #tpu.memory_space<vmem>> -> memref<4096xf32, #tpu.memory_space<vmem>>
      %dma_wait3A_626 = tpu.memref_slice %arg4[%mul3A_609] : memref<104857600xf32, #tpu.memory_space<hbm>> -> memref<4096xf32, #tpu.memory_space<hbm>>
      %dma_wait3A_627 = tpu.memref_slice %arg4[%mul3A_609] : memref<104857600xf32, #tpu.memory_space<hbm>> -> memref<4096xf32, #tpu.memory_space<hbm>>
      %dma_wait3A_628 = arith.constant 0 : i32
      %dma_wait3A_629 = tpu.memref_slice %arg7[%dma_wait3A_622, %dma_wait3A_628] : memref<2x16384xf32, #tpu.memory_space<vmem>> -> memref<1x4096xf32, #tpu.memory_space<vmem>>
      %dma_wait3A_630 = tpu.memref_squeeze %dma_wait3A_629 : memref<1x4096xf32, #tpu.memory_space<vmem>> -> memref<4096xf32, #tpu.memory_space<vmem>>
      tpu.wait_dma2 semaphore(%arg12 : memref<!tpu.dma_semaphore, #tpu.memory_space<semaphore_mem>>) src(%dma_wait3A_630 : memref<4096xf32, #tpu.memory_space<vmem>>) dst(%dma_wait3A_627 : memref<4096xf32, #tpu.memory_space<hbm>>)
      %dma_wait3A_631 = arith.constant 0 : i32
      %dma_wait3A_632 = arith.constant 4096 : i32
      %dma_wait3A_633 = tpu.memref_slice %arg7[%dma_wait3A_631, %dma_wait3A_632] : memref<2x16384xf32, #tpu.memory_space<vmem>> -> memref<1x4096xf32, #tpu.memory_space<vmem>>
      %dma_wait3A_634 = tpu.memref_squeeze %dma_wait3A_633 : memref<1x4096xf32, #tpu.memory_space<vmem>> -> memref<4096xf32, #tpu.memory_space<vmem>>
      %dma_wait3A_635 = tpu.memref_slice %arg4[%mul3A_613] : memref<104857600xf32, #tpu.memory_space<hbm>> -> memref<4096xf32, #tpu.memory_space<hbm>>
      %dma_wait3A_636 = tpu.memref_slice %arg4[%mul3A_613] : memref<104857600xf32, #tpu.memory_space<hbm>> -> memref<4096xf32, #tpu.memory_space<hbm>>
      %dma_wait3A_637 = arith.constant 4096 : i32
      %dma_wait3A_638 = tpu.memref_slice %arg7[%dma_wait3A_631, %dma_wait3A_637] : memref<2x16384xf32, #tpu.memory_space<vmem>> -> memref<1x4096xf32, #tpu.memory_space<vmem>>
      %dma_wait3A_639 = tpu.memref_squeeze %dma_wait3A_638 : memref<1x4096xf32, #tpu.memory_space<vmem>> -> memref<4096xf32, #tpu.memory_space<vmem>>
      tpu.wait_dma2 semaphore(%arg12 : memref<!tpu.dma_semaphore, #tpu.memory_space<semaphore_mem>>) src(%dma_wait3A_639 : memref<4096xf32, #tpu.memory_space<vmem>>) dst(%dma_wait3A_636 : memref<4096xf32, #tpu.memory_space<hbm>>)
      %dma_wait3A_640 = arith.constant 0 : i32
      %dma_wait3A_641 = arith.constant 8192 : i32
      %dma_wait3A_642 = tpu.memref_slice %arg7[%dma_wait3A_640, %dma_wait3A_641] : memref<2x16384xf32, #tpu.memory_space<vmem>> -> memref<1x4096xf32, #tpu.memory_space<vmem>>
      %dma_wait3A_643 = tpu.memref_squeeze %dma_wait3A_642 : memref<1x4096xf32, #tpu.memory_space<vmem>> -> memref<4096xf32, #tpu.memory_space<vmem>>
      %dma_wait3A_644 = tpu.memref_slice %arg4[%mul3A_617] : memref<104857600xf32, #tpu.memory_space<hbm>> -> memref<4096xf32, #tpu.memory_space<hbm>>
      %dma_wait3A_645 = tpu.memref_slice %arg4[%mul3A_617] : memref<104857600xf32, #tpu.memory_space<hbm>> -> memref<4096xf32, #tpu.memory_space<hbm>>
      %dma_wait3A_646 = arith.constant 8192 : i32
      %dma_wait3A_647 = tpu.memref_slice %arg7[%dma_wait3A_640, %dma_wait3A_646] : memref<2x16384xf32, #tpu.memory_space<vmem>> -> memref<1x4096xf32, #tpu.memory_space<vmem>>
      %dma_wait3A_648 = tpu.memref_squeeze %dma_wait3A_647 : memref<1x4096xf32, #tpu.memory_space<vmem>> -> memref<4096xf32, #tpu.memory_space<vmem>>
      tpu.wait_dma2 semaphore(%arg12 : memref<!tpu.dma_semaphore, #tpu.memory_space<semaphore_mem>>) src(%dma_wait3A_648 : memref<4096xf32, #tpu.memory_space<vmem>>) dst(%dma_wait3A_645 : memref<4096xf32, #tpu.memory_space<hbm>>)
      %dma_wait3A_649 = arith.constant 0 : i32
      %dma_wait3A_650 = arith.constant 12288 : i32
      %dma_wait3A_651 = tpu.memref_slice %arg7[%dma_wait3A_649, %dma_wait3A_650] : memref<2x16384xf32, #tpu.memory_space<vmem>> -> memref<1x4096xf32, #tpu.memory_space<vmem>>
      %dma_wait3A_652 = tpu.memref_squeeze %dma_wait3A_651 : memref<1x4096xf32, #tpu.memory_space<vmem>> -> memref<4096xf32, #tpu.memory_space<vmem>>
      %dma_wait3A_653 = tpu.memref_slice %arg4[%mul3A_621] : memref<104857600xf32, #tpu.memory_space<hbm>> -> memref<4096xf32, #tpu.memory_space<hbm>>
      %dma_wait3A_654 = tpu.memref_slice %arg4[%mul3A_621] : memref<104857600xf32, #tpu.memory_space<hbm>> -> memref<4096xf32, #tpu.memory_space<hbm>>
      %dma_wait3A_655 = arith.constant 12288 : i32
      %dma_wait3A_656 = tpu.memref_slice %arg7[%dma_wait3A_649, %dma_wait3A_655] : memref<2x16384xf32, #tpu.memory_space<vmem>> -> memref<1x4096xf32, #tpu.memory_space<vmem>>
      %dma_wait3A_657 = tpu.memref_squeeze %dma_wait3A_656 : memref<1x4096xf32, #tpu.memory_space<vmem>> -> memref<4096xf32, #tpu.memory_space<vmem>>
      tpu.wait_dma2 semaphore(%arg12 : memref<!tpu.dma_semaphore, #tpu.memory_space<semaphore_mem>>) src(%dma_wait3A_657 : memref<4096xf32, #tpu.memory_space<vmem>>) dst(%dma_wait3A_654 : memref<4096xf32, #tpu.memory_space<hbm>>)
      %add3A_658 = arith.addi %mul3A_2, %mul3A_525 : i32
      %shift_right_logical3A_659 = arith.constant 5 : i32
      %shift_right_logical3A_660 = arith.shrui %add3A_658, %shift_right_logical3A_659 : i32
      %and3A_661 = arith.constant 31 : i32
      %and3A_662 = arith.andi %add3A_658, %and3A_661 : i32
      %mul3A_663 = arith.constant 4 : i32
      %mul3A_664 = arith.muli %shift_right_logical3A_660, %mul3A_663 : i32
      %mul3A_665 = arith.constant 128 : i32
      %mul3A_666 = arith.muli %mul3A_664, %mul3A_665 : i32
      %mul3A_667 = arith.constant 4 : i32
      %mul3A_668 = arith.muli %and3A_662, %mul3A_667 : i32
      %add3A_669 = arith.addi %mul3A_666, %mul3A_668 : i32
      %add3A_670 = arith.constant 0 : i32
      %add3A_671 = arith.addi %add3A_669, %add3A_670 : i32
      %mul3A_672 = arith.constant 1024 : i32
      %mul3A_673 = arith.muli %add3A_671, %mul3A_672 : i32
      %add3A_674 = arith.constant 128 : i32
      %add3A_675 = arith.addi %add3A_669, %add3A_674 : i32
      %mul3A_676 = arith.constant 1024 : i32
      %mul3A_677 = arith.muli %add3A_675, %mul3A_676 : i32
      %add3A_678 = arith.constant 256 : i32
      %add3A_679 = arith.addi %add3A_669, %add3A_678 : i32
      %mul3A_680 = arith.constant 1024 : i32
      %mul3A_681 = arith.muli %add3A_679, %mul3A_680 : i32
      %add3A_682 = arith.constant 384 : i32
      %add3A_683 = arith.addi %add3A_669, %add3A_682 : i32
      %mul3A_684 = arith.constant 1024 : i32
      %mul3A_685 = arith.muli %add3A_683, %mul3A_684 : i32
      %dma_start3A_686 = arith.constant 0 : i32
      %dma_start3A_687 = arith.constant 0 : i32
      %dma_start3A_688 = tpu.memref_slice %arg7[%dma_start3A_686, %dma_start3A_687] : memref<2x16384xf32, #tpu.memory_space<vmem>> -> memref<1x4096xf32, #tpu.memory_space<vmem>>
      %dma_start3A_689 = tpu.memref_squeeze %dma_start3A_688 : memref<1x4096xf32, #tpu.memory_space<vmem>> -> memref<4096xf32, #tpu.memory_space<vmem>>
      %dma_start3A_690 = tpu.memref_slice %arg4[%mul3A_673] : memref<104857600xf32, #tpu.memory_space<hbm>> -> memref<4096xf32, #tpu.memory_space<hbm>>
      %dma_start3A_691 = tpu.memref_slice %arg4[%mul3A_673] : memref<104857600xf32, #tpu.memory_space<hbm>> -> memref<4096xf32, #tpu.memory_space<hbm>>
      %dma_start3A_692 = arith.constant 0 : i32
      %dma_start3A_693 = tpu.memref_slice %arg7[%dma_start3A_686, %dma_start3A_692] : memref<2x16384xf32, #tpu.memory_space<vmem>> -> memref<1x4096xf32, #tpu.memory_space<vmem>>
      %dma_start3A_694 = tpu.memref_squeeze %dma_start3A_693 : memref<1x4096xf32, #tpu.memory_space<vmem>> -> memref<4096xf32, #tpu.memory_space<vmem>>
      tpu.enqueue_dma source(%dma_start3A_694 : memref<4096xf32, #tpu.memory_space<vmem>>) target(%dma_start3A_691 : memref<4096xf32, #tpu.memory_space<hbm>>) target_semaphore(%arg12 : memref<!tpu.dma_semaphore, #tpu.memory_space<semaphore_mem>>)
      %dma_start3A_695 = arith.constant 0 : i32
      %dma_start3A_696 = arith.constant 4096 : i32
      %dma_start3A_697 = tpu.memref_slice %arg7[%dma_start3A_695, %dma_start3A_696] : memref<2x16384xf32, #tpu.memory_space<vmem>> -> memref<1x4096xf32, #tpu.memory_space<vmem>>
      %dma_start3A_698 = tpu.memref_squeeze %dma_start3A_697 : memref<1x4096xf32, #tpu.memory_space<vmem>> -> memref<4096xf32, #tpu.memory_space<vmem>>
      %dma_start3A_699 = tpu.memref_slice %arg4[%mul3A_677] : memref<104857600xf32, #tpu.memory_space<hbm>> -> memref<4096xf32, #tpu.memory_space<hbm>>
      %dma_start3A_700 = tpu.memref_slice %arg4[%mul3A_677] : memref<104857600xf32, #tpu.memory_space<hbm>> -> memref<4096xf32, #tpu.memory_space<hbm>>
      %dma_start3A_701 = arith.constant 4096 : i32
      %dma_start3A_702 = tpu.memref_slice %arg7[%dma_start3A_695, %dma_start3A_701] : memref<2x16384xf32, #tpu.memory_space<vmem>> -> memref<1x4096xf32, #tpu.memory_space<vmem>>
      %dma_start3A_703 = tpu.memref_squeeze %dma_start3A_702 : memref<1x4096xf32, #tpu.memory_space<vmem>> -> memref<4096xf32, #tpu.memory_space<vmem>>
      tpu.enqueue_dma source(%dma_start3A_703 : memref<4096xf32, #tpu.memory_space<vmem>>) target(%dma_start3A_700 : memref<4096xf32, #tpu.memory_space<hbm>>) target_semaphore(%arg12 : memref<!tpu.dma_semaphore, #tpu.memory_space<semaphore_mem>>)
      %dma_start3A_704 = arith.constant 0 : i32
      %dma_start3A_705 = arith.constant 8192 : i32
      %dma_start3A_706 = tpu.memref_slice %arg7[%dma_start3A_704, %dma_start3A_705] : memref<2x16384xf32, #tpu.memory_space<vmem>> -> memref<1x4096xf32, #tpu.memory_space<vmem>>
      %dma_start3A_707 = tpu.memref_squeeze %dma_start3A_706 : memref<1x4096xf32, #tpu.memory_space<vmem>> -> memref<4096xf32, #tpu.memory_space<vmem>>
      %dma_start3A_708 = tpu.memref_slice %arg4[%mul3A_681] : memref<104857600xf32, #tpu.memory_space<hbm>> -> memref<4096xf32, #tpu.memory_space<hbm>>
      %dma_start3A_709 = tpu.memref_slice %arg4[%mul3A_681] : memref<104857600xf32, #tpu.memory_space<hbm>> -> memref<4096xf32, #tpu.memory_space<hbm>>
      %dma_start3A_710 = arith.constant 8192 : i32
      %dma_start3A_711 = tpu.memref_slice %arg7[%dma_start3A_704, %dma_start3A_710] : memref<2x16384xf32, #tpu.memory_space<vmem>> -> memref<1x4096xf32, #tpu.memory_space<vmem>>
      %dma_start3A_712 = tpu.memref_squeeze %dma_start3A_711 : memref<1x4096xf32, #tpu.memory_space<vmem>> -> memref<4096xf32, #tpu.memory_space<vmem>>
      tpu.enqueue_dma source(%dma_start3A_712 : memref<4096xf32, #tpu.memory_space<vmem>>) target(%dma_start3A_709 : memref<4096xf32, #tpu.memory_space<hbm>>) target_semaphore(%arg12 : memref<!tpu.dma_semaphore, #tpu.memory_space<semaphore_mem>>)
      %dma_start3A_713 = arith.constant 0 : i32
      %dma_start3A_714 = arith.constant 12288 : i32
      %dma_start3A_715 = tpu.memref_slice %arg7[%dma_start3A_713, %dma_start3A_714] : memref<2x16384xf32, #tpu.memory_space<vmem>> -> memref<1x4096xf32, #tpu.memory_space<vmem>>
      %dma_start3A_716 = tpu.memref_squeeze %dma_start3A_715 : memref<1x4096xf32, #tpu.memory_space<vmem>> -> memref<4096xf32, #tpu.memory_space<vmem>>
      %dma_start3A_717 = tpu.memref_slice %arg4[%mul3A_685] : memref<104857600xf32, #tpu.memory_space<hbm>> -> memref<4096xf32, #tpu.memory_space<hbm>>
      %dma_start3A_718 = tpu.memref_slice %arg4[%mul3A_685] : memref<104857600xf32, #tpu.memory_space<hbm>> -> memref<4096xf32, #tpu.memory_space<hbm>>
      %dma_start3A_719 = arith.constant 12288 : i32
      %dma_start3A_720 = tpu.memref_slice %arg7[%dma_start3A_713, %dma_start3A_719] : memref<2x16384xf32, #tpu.memory_space<vmem>> -> memref<1x4096xf32, #tpu.memory_space<vmem>>
      %dma_start3A_721 = tpu.memref_squeeze %dma_start3A_720 : memref<1x4096xf32, #tpu.memory_space<vmem>> -> memref<4096xf32, #tpu.memory_space<vmem>>
      tpu.enqueue_dma source(%dma_start3A_721 : memref<4096xf32, #tpu.memory_space<vmem>>) target(%dma_start3A_718 : memref<4096xf32, #tpu.memory_space<hbm>>) target_semaphore(%arg12 : memref<!tpu.dma_semaphore, #tpu.memory_space<semaphore_mem>>)
      %mul3A_722 = arith.constant 2 : i32
      %mul3A_723 = arith.muli %mul3A_722, %scan3A_523 : i32
      %add3A_724 = arith.constant 1 : i32
      %add3A_725 = arith.addi %mul3A_723, %add3A_724 : i32
      %add3A_726 = arith.constant 1 : i32
      %add3A_727 = arith.addi %add3A_725, %add3A_726 : i32
      %min3A_728 = arith.constant 199 : i32
      %min3A_729 = arith.minsi %add3A_727, %min3A_728 : i32
      %add3A_730 = arith.constant 2 : i32
      %add3A_731 = arith.addi %add3A_725, %add3A_730 : i32
      %min3A_732 = arith.constant 199 : i32
      %min3A_733 = arith.minsi %add3A_731, %min3A_732 : i32
      %add3A_734 = arith.addi %mul3A_2, %min3A_729 : i32
      %shift_right_logical3A_735 = arith.constant 5 : i32
      %shift_right_logical3A_736 = arith.shrui %add3A_734, %shift_right_logical3A_735 : i32
      %and3A_737 = arith.constant 31 : i32
      %and3A_738 = arith.andi %add3A_734, %and3A_737 : i32
      %mul3A_739 = arith.constant 512 : i32
      %mul3A_740 = arith.muli %and3A_738, %mul3A_739 : i32
      %dma_wait3A_741 = arith.constant 0 : i32
      %dma_wait3A_742 = arith.constant 0 : i32
      %dma_wait3A_743 = tpu.memref_slice %arg5[%dma_wait3A_741, %dma_wait3A_742] : memref<2x512xi32, #tpu.memory_space<vmem>> -> memref<1x512xi32, #tpu.memory_space<vmem>>
      %dma_wait3A_744 = tpu.memref_squeeze %dma_wait3A_743 : memref<1x512xi32, #tpu.memory_space<vmem>> -> memref<512xi32, #tpu.memory_space<vmem>>
      %dma_wait3A_745 = tpu.memref_slice %arg2[%shift_right_logical3A_736, %mul3A_740] : memref<200x16384xi32, #tpu.memory_space<hbm>> -> memref<1x512xi32, #tpu.memory_space<hbm>>
      %dma_wait3A_746 = tpu.memref_squeeze %dma_wait3A_745 : memref<1x512xi32, #tpu.memory_space<hbm>> -> memref<512xi32, #tpu.memory_space<hbm>>
      %dma_wait3A_747 = arith.constant 0 : i32
      %dma_wait3A_748 = tpu.memref_slice %arg5[%dma_wait3A_741, %dma_wait3A_747] : memref<2x512xi32, #tpu.memory_space<vmem>> -> memref<1x512xi32, #tpu.memory_space<vmem>>
      %dma_wait3A_749 = tpu.memref_squeeze %dma_wait3A_748 : memref<1x512xi32, #tpu.memory_space<vmem>> -> memref<512xi32, #tpu.memory_space<vmem>>
      %dma_wait3A_750 = tpu.memref_slice %arg2[%shift_right_logical3A_736, %mul3A_740] : memref<200x16384xi32, #tpu.memory_space<hbm>> -> memref<1x512xi32, #tpu.memory_space<hbm>>
      %dma_wait3A_751 = tpu.memref_squeeze %dma_wait3A_750 : memref<1x512xi32, #tpu.memory_space<hbm>> -> memref<512xi32, #tpu.memory_space<hbm>>
      tpu.wait_dma2 semaphore(%arg8 : memref<!tpu.dma_semaphore, #tpu.memory_space<semaphore_mem>>) src(%dma_wait3A_751 : memref<512xi32, #tpu.memory_space<hbm>>) dst(%dma_wait3A_749 : memref<512xi32, #tpu.memory_space<vmem>>)
      %dma_start3A_752 = arith.constant 0 : i32
      %dma_start3A_753 = arith.constant 0 : i32
      %dma_start3A_754 = arith.constant 0 : i32
      %dma_start3A_755 = arith.constant 0 : i32
      %dma_start3A_756 = tpu.memref_slice %arg6[%dma_start3A_753, %dma_start3A_754, %dma_start3A_755] : memref<2x512x32xf32, #tpu.memory_space<vmem>> -> memref<1x512x32xf32, #tpu.memory_space<vmem>>
      %dma_start3A_757 = tpu.memref_squeeze %dma_start3A_756 : memref<1x512x32xf32, #tpu.memory_space<vmem>> -> memref<512x32xf32, #tpu.memory_space<vmem>>
      %dma_start3A_758 = arith.constant 0 : i32
      %dma_start3A_759 = tpu.memref_slice %arg5[%dma_start3A_752, %dma_start3A_758] : memref<2x512xi32, #tpu.memory_space<vmem>> -> memref<1x512xi32, #tpu.memory_space<vmem>>
      %dma_start3A_760 = tpu.memref_squeeze %dma_start3A_759 : memref<1x512xi32, #tpu.memory_space<vmem>> -> memref<512xi32, #tpu.memory_space<vmem>>
      %dma_start3A_761 = arith.constant 0 : i32
      %dma_start3A_762 = arith.constant 0 : i32
      %dma_start3A_763 = tpu.memref_slice %arg3[%dma_start3A_761, %dma_start3A_762] : memref<1000000x32xf32, #tpu.memory_space<hbm>> -> memref<1000000x32xf32, #tpu.memory_space<hbm>>
      tpu.enqueue_indirect_dma source(%dma_start3A_763 : memref<1000000x32xf32, #tpu.memory_space<hbm>>) target(%dma_start3A_757 : memref<512x32xf32, #tpu.memory_space<vmem>>) offsets(%dma_start3A_760 : memref<512xi32, #tpu.memory_space<vmem>>) semaphore(%arg10 : memref<!tpu.dma_semaphore, #tpu.memory_space<semaphore_mem>>)
      %dma_wait3A_764 = arith.constant 1 : i32
      %dma_wait3A_765 = arith.constant 1 : i32
      %dma_wait3A_766 = arith.constant 0 : i32
      %dma_wait3A_767 = arith.constant 0 : i32
      %dma_wait3A_768 = tpu.memref_slice %arg6[%dma_wait3A_765, %dma_wait3A_766, %dma_wait3A_767] : memref<2x512x32xf32, #tpu.memory_space<vmem>> -> memref<1x512x32xf32, #tpu.memory_space<vmem>>
      %dma_wait3A_769 = tpu.memref_squeeze %dma_wait3A_768 : memref<1x512x32xf32, #tpu.memory_space<vmem>> -> memref<512x32xf32, #tpu.memory_space<vmem>>
      %dma_wait3A_770 = arith.constant 0 : i32
      %dma_wait3A_771 = tpu.memref_slice %arg5[%dma_wait3A_764, %dma_wait3A_770] : memref<2x512xi32, #tpu.memory_space<vmem>> -> memref<1x512xi32, #tpu.memory_space<vmem>>
      %dma_wait3A_772 = tpu.memref_squeeze %dma_wait3A_771 : memref<1x512xi32, #tpu.memory_space<vmem>> -> memref<512xi32, #tpu.memory_space<vmem>>
      %dma_wait3A_773 = arith.constant 0 : i32
      %dma_wait3A_774 = arith.constant 0 : i32
      %dma_wait3A_775 = tpu.memref_slice %arg3[%dma_wait3A_773, %dma_wait3A_774] : memref<1000000x32xf32, #tpu.memory_space<hbm>> -> memref<1000000x32xf32, #tpu.memory_space<hbm>>
      tpu.wait_indirect_dma semaphore(%arg11 : memref<!tpu.dma_semaphore, #tpu.memory_space<semaphore_mem>>) src(%dma_wait3A_775 : memref<1000000x32xf32, #tpu.memory_space<hbm>>) dst(%dma_wait3A_769 : memref<512x32xf32, #tpu.memory_space<vmem>>)
      %add3A_776 = arith.addi %mul3A_2, %min3A_733 : i32
      %shift_right_logical3A_777 = arith.constant 5 : i32
      %shift_right_logical3A_778 = arith.shrui %add3A_776, %shift_right_logical3A_777 : i32
      %and3A_779 = arith.constant 31 : i32
      %and3A_780 = arith.andi %add3A_776, %and3A_779 : i32
      %mul3A_781 = arith.constant 512 : i32
      %mul3A_782 = arith.muli %and3A_780, %mul3A_781 : i32
      %dma_start3A_783 = arith.constant 1 : i32
      %dma_start3A_784 = arith.constant 0 : i32
      %dma_start3A_785 = tpu.memref_slice %arg5[%dma_start3A_783, %dma_start3A_784] : memref<2x512xi32, #tpu.memory_space<vmem>> -> memref<1x512xi32, #tpu.memory_space<vmem>>
      %dma_start3A_786 = tpu.memref_squeeze %dma_start3A_785 : memref<1x512xi32, #tpu.memory_space<vmem>> -> memref<512xi32, #tpu.memory_space<vmem>>
      %dma_start3A_787 = tpu.memref_slice %arg2[%shift_right_logical3A_778, %mul3A_782] : memref<200x16384xi32, #tpu.memory_space<hbm>> -> memref<1x512xi32, #tpu.memory_space<hbm>>
      %dma_start3A_788 = tpu.memref_squeeze %dma_start3A_787 : memref<1x512xi32, #tpu.memory_space<hbm>> -> memref<512xi32, #tpu.memory_space<hbm>>
      %dma_start3A_789 = arith.constant 0 : i32
      %dma_start3A_790 = tpu.memref_slice %arg5[%dma_start3A_783, %dma_start3A_789] : memref<2x512xi32, #tpu.memory_space<vmem>> -> memref<1x512xi32, #tpu.memory_space<vmem>>
      %dma_start3A_791 = tpu.memref_squeeze %dma_start3A_790 : memref<1x512xi32, #tpu.memory_space<vmem>> -> memref<512xi32, #tpu.memory_space<vmem>>
      %dma_start3A_792 = tpu.memref_slice %arg2[%shift_right_logical3A_778, %mul3A_782] : memref<200x16384xi32, #tpu.memory_space<hbm>> -> memref<1x512xi32, #tpu.memory_space<hbm>>
      %dma_start3A_793 = tpu.memref_squeeze %dma_start3A_792 : memref<1x512xi32, #tpu.memory_space<hbm>> -> memref<512xi32, #tpu.memory_space<hbm>>
      tpu.enqueue_dma source(%dma_start3A_793 : memref<512xi32, #tpu.memory_space<hbm>>) target(%dma_start3A_791 : memref<512xi32, #tpu.memory_space<vmem>>) target_semaphore(%arg9 : memref<!tpu.dma_semaphore, #tpu.memory_space<semaphore_mem>>)
      %add3A_794 = arith.addi %mul3A_2, %add3A_725 : i32
      %shift_right_logical3A_795 = arith.constant 5 : i32
      %shift_right_logical3A_796 = arith.shrui %add3A_794, %shift_right_logical3A_795 : i32
      %and3A_797 = arith.constant 31 : i32
      %and3A_798 = arith.andi %add3A_794, %and3A_797 : i32
      %mul3A_799 = arith.constant 4 : i32
      %mul3A_800 = arith.muli %shift_right_logical3A_796, %mul3A_799 : i32
      %mul3A_801 = arith.constant 128 : i32
      %mul3A_802 = arith.muli %mul3A_800, %mul3A_801 : i32
      %mul3A_803 = arith.constant 4 : i32
      %mul3A_804 = arith.muli %and3A_798, %mul3A_803 : i32
      %add3A_805 = arith.addi %mul3A_802, %mul3A_804 : i32
      %add3A_806 = arith.constant 0 : i32
      %add3A_807 = arith.addi %add3A_805, %add3A_806 : i32
      %mul3A_808 = arith.constant 1024 : i32
      %mul3A_809 = arith.muli %add3A_807, %mul3A_808 : i32
      %add3A_810 = arith.constant 128 : i32
      %add3A_811 = arith.addi %add3A_805, %add3A_810 : i32
      %mul3A_812 = arith.constant 1024 : i32
      %mul3A_813 = arith.muli %add3A_811, %mul3A_812 : i32
      %add3A_814 = arith.constant 256 : i32
      %add3A_815 = arith.addi %add3A_805, %add3A_814 : i32
      %mul3A_816 = arith.constant 1024 : i32
      %mul3A_817 = arith.muli %add3A_815, %mul3A_816 : i32
      %add3A_818 = arith.constant 384 : i32
      %add3A_819 = arith.addi %add3A_805, %add3A_818 : i32
      %mul3A_820 = arith.constant 1024 : i32
      %mul3A_821 = arith.muli %add3A_819, %mul3A_820 : i32
      %dma_wait3A_822 = arith.constant 1 : i32
      %dma_wait3A_823 = arith.constant 0 : i32
      %dma_wait3A_824 = tpu.memref_slice %arg7[%dma_wait3A_822, %dma_wait3A_823] : memref<2x16384xf32, #tpu.memory_space<vmem>> -> memref<1x4096xf32, #tpu.memory_space<vmem>>
      %dma_wait3A_825 = tpu.memref_squeeze %dma_wait3A_824 : memref<1x4096xf32, #tpu.memory_space<vmem>> -> memref<4096xf32, #tpu.memory_space<vmem>>
      %dma_wait3A_826 = tpu.memref_slice %arg4[%mul3A_809] : memref<104857600xf32, #tpu.memory_space<hbm>> -> memref<4096xf32, #tpu.memory_space<hbm>>
      %dma_wait3A_827 = tpu.memref_slice %arg4[%mul3A_809] : memref<104857600xf32, #tpu.memory_space<hbm>> -> memref<4096xf32, #tpu.memory_space<hbm>>
      %dma_wait3A_828 = arith.constant 0 : i32
      %dma_wait3A_829 = tpu.memref_slice %arg7[%dma_wait3A_822, %dma_wait3A_828] : memref<2x16384xf32, #tpu.memory_space<vmem>> -> memref<1x4096xf32, #tpu.memory_space<vmem>>
      %dma_wait3A_830 = tpu.memref_squeeze %dma_wait3A_829 : memref<1x4096xf32, #tpu.memory_space<vmem>> -> memref<4096xf32, #tpu.memory_space<vmem>>
      tpu.wait_dma2 semaphore(%arg13 : memref<!tpu.dma_semaphore, #tpu.memory_space<semaphore_mem>>) src(%dma_wait3A_830 : memref<4096xf32, #tpu.memory_space<vmem>>) dst(%dma_wait3A_827 : memref<4096xf32, #tpu.memory_space<hbm>>)
      %dma_wait3A_831 = arith.constant 1 : i32
      %dma_wait3A_832 = arith.constant 4096 : i32
      %dma_wait3A_833 = tpu.memref_slice %arg7[%dma_wait3A_831, %dma_wait3A_832] : memref<2x16384xf32, #tpu.memory_space<vmem>> -> memref<1x4096xf32, #tpu.memory_space<vmem>>
      %dma_wait3A_834 = tpu.memref_squeeze %dma_wait3A_833 : memref<1x4096xf32, #tpu.memory_space<vmem>> -> memref<4096xf32, #tpu.memory_space<vmem>>
      %dma_wait3A_835 = tpu.memref_slice %arg4[%mul3A_813] : memref<104857600xf32, #tpu.memory_space<hbm>> -> memref<4096xf32, #tpu.memory_space<hbm>>
      %dma_wait3A_836 = tpu.memref_slice %arg4[%mul3A_813] : memref<104857600xf32, #tpu.memory_space<hbm>> -> memref<4096xf32, #tpu.memory_space<hbm>>
      %dma_wait3A_837 = arith.constant 4096 : i32
      %dma_wait3A_838 = tpu.memref_slice %arg7[%dma_wait3A_831, %dma_wait3A_837] : memref<2x16384xf32, #tpu.memory_space<vmem>> -> memref<1x4096xf32, #tpu.memory_space<vmem>>
      %dma_wait3A_839 = tpu.memref_squeeze %dma_wait3A_838 : memref<1x4096xf32, #tpu.memory_space<vmem>> -> memref<4096xf32, #tpu.memory_space<vmem>>
      tpu.wait_dma2 semaphore(%arg13 : memref<!tpu.dma_semaphore, #tpu.memory_space<semaphore_mem>>) src(%dma_wait3A_839 : memref<4096xf32, #tpu.memory_space<vmem>>) dst(%dma_wait3A_836 : memref<4096xf32, #tpu.memory_space<hbm>>)
      %dma_wait3A_840 = arith.constant 1 : i32
      %dma_wait3A_841 = arith.constant 8192 : i32
      %dma_wait3A_842 = tpu.memref_slice %arg7[%dma_wait3A_840, %dma_wait3A_841] : memref<2x16384xf32, #tpu.memory_space<vmem>> -> memref<1x4096xf32, #tpu.memory_space<vmem>>
      %dma_wait3A_843 = tpu.memref_squeeze %dma_wait3A_842 : memref<1x4096xf32, #tpu.memory_space<vmem>> -> memref<4096xf32, #tpu.memory_space<vmem>>
      %dma_wait3A_844 = tpu.memref_slice %arg4[%mul3A_817] : memref<104857600xf32, #tpu.memory_space<hbm>> -> memref<4096xf32, #tpu.memory_space<hbm>>
      %dma_wait3A_845 = tpu.memref_slice %arg4[%mul3A_817] : memref<104857600xf32, #tpu.memory_space<hbm>> -> memref<4096xf32, #tpu.memory_space<hbm>>
      %dma_wait3A_846 = arith.constant 8192 : i32
      %dma_wait3A_847 = tpu.memref_slice %arg7[%dma_wait3A_840, %dma_wait3A_846] : memref<2x16384xf32, #tpu.memory_space<vmem>> -> memref<1x4096xf32, #tpu.memory_space<vmem>>
      %dma_wait3A_848 = tpu.memref_squeeze %dma_wait3A_847 : memref<1x4096xf32, #tpu.memory_space<vmem>> -> memref<4096xf32, #tpu.memory_space<vmem>>
      tpu.wait_dma2 semaphore(%arg13 : memref<!tpu.dma_semaphore, #tpu.memory_space<semaphore_mem>>) src(%dma_wait3A_848 : memref<4096xf32, #tpu.memory_space<vmem>>) dst(%dma_wait3A_845 : memref<4096xf32, #tpu.memory_space<hbm>>)
      %dma_wait3A_849 = arith.constant 1 : i32
      %dma_wait3A_850 = arith.constant 12288 : i32
      %dma_wait3A_851 = tpu.memref_slice %arg7[%dma_wait3A_849, %dma_wait3A_850] : memref<2x16384xf32, #tpu.memory_space<vmem>> -> memref<1x4096xf32, #tpu.memory_space<vmem>>
      %dma_wait3A_852 = tpu.memref_squeeze %dma_wait3A_851 : memref<1x4096xf32, #tpu.memory_space<vmem>> -> memref<4096xf32, #tpu.memory_space<vmem>>
      %dma_wait3A_853 = tpu.memref_slice %arg4[%mul3A_821] : memref<104857600xf32, #tpu.memory_space<hbm>> -> memref<4096xf32, #tpu.memory_space<hbm>>
      %dma_wait3A_854 = tpu.memref_slice %arg4[%mul3A_821] : memref<104857600xf32, #tpu.memory_space<hbm>> -> memref<4096xf32, #tpu.memory_space<hbm>>
      %dma_wait3A_855 = arith.constant 12288 : i32
      %dma_wait3A_856 = tpu.memref_slice %arg7[%dma_wait3A_849, %dma_wait3A_855] : memref<2x16384xf32, #tpu.memory_space<vmem>> -> memref<1x4096xf32, #tpu.memory_space<vmem>>
      %dma_wait3A_857 = tpu.memref_squeeze %dma_wait3A_856 : memref<1x4096xf32, #tpu.memory_space<vmem>> -> memref<4096xf32, #tpu.memory_space<vmem>>
      tpu.wait_dma2 semaphore(%arg13 : memref<!tpu.dma_semaphore, #tpu.memory_space<semaphore_mem>>) src(%dma_wait3A_857 : memref<4096xf32, #tpu.memory_space<vmem>>) dst(%dma_wait3A_854 : memref<4096xf32, #tpu.memory_space<hbm>>)
      %add3A_858 = arith.addi %mul3A_2, %add3A_725 : i32
      %shift_right_logical3A_859 = arith.constant 5 : i32
      %shift_right_logical3A_860 = arith.shrui %add3A_858, %shift_right_logical3A_859 : i32
      %and3A_861 = arith.constant 31 : i32
      %and3A_862 = arith.andi %add3A_858, %and3A_861 : i32
      %mul3A_863 = arith.constant 4 : i32
      %mul3A_864 = arith.muli %shift_right_logical3A_860, %mul3A_863 : i32
      %mul3A_865 = arith.constant 128 : i32
      %mul3A_866 = arith.muli %mul3A_864, %mul3A_865 : i32
      %mul3A_867 = arith.constant 4 : i32
      %mul3A_868 = arith.muli %and3A_862, %mul3A_867 : i32
      %add3A_869 = arith.addi %mul3A_866, %mul3A_868 : i32
      %add3A_870 = arith.constant 0 : i32
      %add3A_871 = arith.addi %add3A_869, %add3A_870 : i32
      %mul3A_872 = arith.constant 1024 : i32
      %mul3A_873 = arith.muli %add3A_871, %mul3A_872 : i32
      %add3A_874 = arith.constant 128 : i32
      %add3A_875 = arith.addi %add3A_869, %add3A_874 : i32
      %mul3A_876 = arith.constant 1024 : i32
      %mul3A_877 = arith.muli %add3A_875, %mul3A_876 : i32
      %add3A_878 = arith.constant 256 : i32
      %add3A_879 = arith.addi %add3A_869, %add3A_878 : i32
      %mul3A_880 = arith.constant 1024 : i32
      %mul3A_881 = arith.muli %add3A_879, %mul3A_880 : i32
      %add3A_882 = arith.constant 384 : i32
      %add3A_883 = arith.addi %add3A_869, %add3A_882 : i32
      %mul3A_884 = arith.constant 1024 : i32
      %mul3A_885 = arith.muli %add3A_883, %mul3A_884 : i32
      %dma_start3A_886 = arith.constant 1 : i32
      %dma_start3A_887 = arith.constant 0 : i32
      %dma_start3A_888 = tpu.memref_slice %arg7[%dma_start3A_886, %dma_start3A_887] : memref<2x16384xf32, #tpu.memory_space<vmem>> -> memref<1x4096xf32, #tpu.memory_space<vmem>>
      %dma_start3A_889 = tpu.memref_squeeze %dma_start3A_888 : memref<1x4096xf32, #tpu.memory_space<vmem>> -> memref<4096xf32, #tpu.memory_space<vmem>>
      %dma_start3A_890 = tpu.memref_slice %arg4[%mul3A_873] : memref<104857600xf32, #tpu.memory_space<hbm>> -> memref<4096xf32, #tpu.memory_space<hbm>>
      %dma_start3A_891 = tpu.memref_slice %arg4[%mul3A_873] : memref<104857600xf32, #tpu.memory_space<hbm>> -> memref<4096xf32, #tpu.memory_space<hbm>>
      %dma_start3A_892 = arith.constant 0 : i32
      %dma_start3A_893 = tpu.memref_slice %arg7[%dma_start3A_886, %dma_start3A_892] : memref<2x16384xf32, #tpu.memory_space<vmem>> -> memref<1x4096xf32, #tpu.memory_space<vmem>>
      %dma_start3A_894 = tpu.memref_squeeze %dma_start3A_893 : memref<1x4096xf32, #tpu.memory_space<vmem>> -> memref<4096xf32, #tpu.memory_space<vmem>>
      tpu.enqueue_dma source(%dma_start3A_894 : memref<4096xf32, #tpu.memory_space<vmem>>) target(%dma_start3A_891 : memref<4096xf32, #tpu.memory_space<hbm>>) target_semaphore(%arg13 : memref<!tpu.dma_semaphore, #tpu.memory_space<semaphore_mem>>)
      %dma_start3A_895 = arith.constant 1 : i32
      %dma_start3A_896 = arith.constant 4096 : i32
      %dma_start3A_897 = tpu.memref_slice %arg7[%dma_start3A_895, %dma_start3A_896] : memref<2x16384xf32, #tpu.memory_space<vmem>> -> memref<1x4096xf32, #tpu.memory_space<vmem>>
      %dma_start3A_898 = tpu.memref_squeeze %dma_start3A_897 : memref<1x4096xf32, #tpu.memory_space<vmem>> -> memref<4096xf32, #tpu.memory_space<vmem>>
      %dma_start3A_899 = tpu.memref_slice %arg4[%mul3A_877] : memref<104857600xf32, #tpu.memory_space<hbm>> -> memref<4096xf32, #tpu.memory_space<hbm>>
      %dma_start3A_900 = tpu.memref_slice %arg4[%mul3A_877] : memref<104857600xf32, #tpu.memory_space<hbm>> -> memref<4096xf32, #tpu.memory_space<hbm>>
      %dma_start3A_901 = arith.constant 4096 : i32
      %dma_start3A_902 = tpu.memref_slice %arg7[%dma_start3A_895, %dma_start3A_901] : memref<2x16384xf32, #tpu.memory_space<vmem>> -> memref<1x4096xf32, #tpu.memory_space<vmem>>
      %dma_start3A_903 = tpu.memref_squeeze %dma_start3A_902 : memref<1x4096xf32, #tpu.memory_space<vmem>> -> memref<4096xf32, #tpu.memory_space<vmem>>
      tpu.enqueue_dma source(%dma_start3A_903 : memref<4096xf32, #tpu.memory_space<vmem>>) target(%dma_start3A_900 : memref<4096xf32, #tpu.memory_space<hbm>>) target_semaphore(%arg13 : memref<!tpu.dma_semaphore, #tpu.memory_space<semaphore_mem>>)
      %dma_start3A_904 = arith.constant 1 : i32
      %dma_start3A_905 = arith.constant 8192 : i32
      %dma_start3A_906 = tpu.memref_slice %arg7[%dma_start3A_904, %dma_start3A_905] : memref<2x16384xf32, #tpu.memory_space<vmem>> -> memref<1x4096xf32, #tpu.memory_space<vmem>>
      %dma_start3A_907 = tpu.memref_squeeze %dma_start3A_906 : memref<1x4096xf32, #tpu.memory_space<vmem>> -> memref<4096xf32, #tpu.memory_space<vmem>>
      %dma_start3A_908 = tpu.memref_slice %arg4[%mul3A_881] : memref<104857600xf32, #tpu.memory_space<hbm>> -> memref<4096xf32, #tpu.memory_space<hbm>>
      %dma_start3A_909 = tpu.memref_slice %arg4[%mul3A_881] : memref<104857600xf32, #tpu.memory_space<hbm>> -> memref<4096xf32, #tpu.memory_space<hbm>>
      %dma_start3A_910 = arith.constant 8192 : i32
      %dma_start3A_911 = tpu.memref_slice %arg7[%dma_start3A_904, %dma_start3A_910] : memref<2x16384xf32, #tpu.memory_space<vmem>> -> memref<1x4096xf32, #tpu.memory_space<vmem>>
      %dma_start3A_912 = tpu.memref_squeeze %dma_start3A_911 : memref<1x4096xf32, #tpu.memory_space<vmem>> -> memref<4096xf32, #tpu.memory_space<vmem>>
      tpu.enqueue_dma source(%dma_start3A_912 : memref<4096xf32, #tpu.memory_space<vmem>>) target(%dma_start3A_909 : memref<4096xf32, #tpu.memory_space<hbm>>) target_semaphore(%arg13 : memref<!tpu.dma_semaphore, #tpu.memory_space<semaphore_mem>>)
      %dma_start3A_913 = arith.constant 1 : i32
      %dma_start3A_914 = arith.constant 12288 : i32
      %dma_start3A_915 = tpu.memref_slice %arg7[%dma_start3A_913, %dma_start3A_914] : memref<2x16384xf32, #tpu.memory_space<vmem>> -> memref<1x4096xf32, #tpu.memory_space<vmem>>
      %dma_start3A_916 = tpu.memref_squeeze %dma_start3A_915 : memref<1x4096xf32, #tpu.memory_space<vmem>> -> memref<4096xf32, #tpu.memory_space<vmem>>
      %dma_start3A_917 = tpu.memref_slice %arg4[%mul3A_885] : memref<104857600xf32, #tpu.memory_space<hbm>> -> memref<4096xf32, #tpu.memory_space<hbm>>
      %dma_start3A_918 = tpu.memref_slice %arg4[%mul3A_885] : memref<104857600xf32, #tpu.memory_space<hbm>> -> memref<4096xf32, #tpu.memory_space<hbm>>
      %dma_start3A_919 = arith.constant 12288 : i32
      %dma_start3A_920 = tpu.memref_slice %arg7[%dma_start3A_913, %dma_start3A_919] : memref<2x16384xf32, #tpu.memory_space<vmem>> -> memref<1x4096xf32, #tpu.memory_space<vmem>>
      %dma_start3A_921 = tpu.memref_squeeze %dma_start3A_920 : memref<1x4096xf32, #tpu.memory_space<vmem>> -> memref<4096xf32, #tpu.memory_space<vmem>>
      tpu.enqueue_dma source(%dma_start3A_921 : memref<4096xf32, #tpu.memory_space<vmem>>) target(%dma_start3A_918 : memref<4096xf32, #tpu.memory_space<hbm>>) target_semaphore(%arg13 : memref<!tpu.dma_semaphore, #tpu.memory_space<semaphore_mem>>)
    }
    %scan3A_361 = arith.constant 99 : i32
    %dma_wait3A_362 = arith.constant 0 : i32
    %dma_wait3A_363 = arith.constant 0 : i32
    %dma_wait3A_364 = arith.constant 0 : i32
    %dma_wait3A_365 = arith.constant 0 : i32
    %dma_wait3A_366 = tpu.memref_slice %arg6[%dma_wait3A_363, %dma_wait3A_364, %dma_wait3A_365] : memref<2x512x32xf32, #tpu.memory_space<vmem>> -> memref<1x512x32xf32, #tpu.memory_space<vmem>>
    %dma_wait3A_367 = tpu.memref_squeeze %dma_wait3A_366 : memref<1x512x32xf32, #tpu.memory_space<vmem>> -> memref<512x32xf32, #tpu.memory_space<vmem>>
    %dma_wait3A_368 = arith.constant 0 : i32
    %dma_wait3A_369 = tpu.memref_slice %arg5[%dma_wait3A_362, %dma_wait3A_368] : memref<2x512xi32, #tpu.memory_space<vmem>> -> memref<1x512xi32, #tpu.memory_space<vmem>>
    %dma_wait3A_370 = tpu.memref_squeeze %dma_wait3A_369 : memref<1x512xi32, #tpu.memory_space<vmem>> -> memref<512xi32, #tpu.memory_space<vmem>>
    %dma_wait3A_371 = arith.constant 0 : i32
    %dma_wait3A_372 = arith.constant 0 : i32
    %dma_wait3A_373 = tpu.memref_slice %arg3[%dma_wait3A_371, %dma_wait3A_372] : memref<1000000x32xf32, #tpu.memory_space<hbm>> -> memref<1000000x32xf32, #tpu.memory_space<hbm>>
    tpu.wait_indirect_dma semaphore(%arg10 : memref<!tpu.dma_semaphore, #tpu.memory_space<semaphore_mem>>) src(%dma_wait3A_373 : memref<1000000x32xf32, #tpu.memory_space<hbm>>) dst(%dma_wait3A_367 : memref<512x32xf32, #tpu.memory_space<vmem>>)
    %add3A_374 = arith.constant 199 : i32
    %add3A_375 = arith.addi %mul3A_2, %add3A_374 : i32
    %shift_right_logical3A_376 = arith.constant 5 : i32
    %shift_right_logical3A_377 = arith.shrui %add3A_375, %shift_right_logical3A_376 : i32
    %and3A_378 = arith.constant 31 : i32
    %and3A_379 = arith.andi %add3A_375, %and3A_378 : i32
    %mul3A_380 = arith.constant 512 : i32
    %mul3A_381 = arith.muli %and3A_379, %mul3A_380 : i32
    %dma_wait3A_382 = arith.constant 1 : i32
    %dma_wait3A_383 = arith.constant 0 : i32
    %dma_wait3A_384 = tpu.memref_slice %arg5[%dma_wait3A_382, %dma_wait3A_383] : memref<2x512xi32, #tpu.memory_space<vmem>> -> memref<1x512xi32, #tpu.memory_space<vmem>>
    %dma_wait3A_385 = tpu.memref_squeeze %dma_wait3A_384 : memref<1x512xi32, #tpu.memory_space<vmem>> -> memref<512xi32, #tpu.memory_space<vmem>>
    %dma_wait3A_386 = tpu.memref_slice %arg2[%shift_right_logical3A_377, %mul3A_381] : memref<200x16384xi32, #tpu.memory_space<hbm>> -> memref<1x512xi32, #tpu.memory_space<hbm>>
    %dma_wait3A_387 = tpu.memref_squeeze %dma_wait3A_386 : memref<1x512xi32, #tpu.memory_space<hbm>> -> memref<512xi32, #tpu.memory_space<hbm>>
    %dma_wait3A_388 = arith.constant 0 : i32
    %dma_wait3A_389 = tpu.memref_slice %arg5[%dma_wait3A_382, %dma_wait3A_388] : memref<2x512xi32, #tpu.memory_space<vmem>> -> memref<1x512xi32, #tpu.memory_space<vmem>>
    %dma_wait3A_390 = tpu.memref_squeeze %dma_wait3A_389 : memref<1x512xi32, #tpu.memory_space<vmem>> -> memref<512xi32, #tpu.memory_space<vmem>>
    %dma_wait3A_391 = tpu.memref_slice %arg2[%shift_right_logical3A_377, %mul3A_381] : memref<200x16384xi32, #tpu.memory_space<hbm>> -> memref<1x512xi32, #tpu.memory_space<hbm>>
    %dma_wait3A_392 = tpu.memref_squeeze %dma_wait3A_391 : memref<1x512xi32, #tpu.memory_space<hbm>> -> memref<512xi32, #tpu.memory_space<hbm>>
    tpu.wait_dma2 semaphore(%arg9 : memref<!tpu.dma_semaphore, #tpu.memory_space<semaphore_mem>>) src(%dma_wait3A_392 : memref<512xi32, #tpu.memory_space<hbm>>) dst(%dma_wait3A_390 : memref<512xi32, #tpu.memory_space<vmem>>)
    %add3A_393 = arith.constant 199 : i32
    %add3A_394 = arith.addi %mul3A_2, %add3A_393 : i32
    %shift_right_logical3A_395 = arith.constant 5 : i32
    %shift_right_logical3A_396 = arith.shrui %add3A_394, %shift_right_logical3A_395 : i32
    %and3A_397 = arith.constant 31 : i32
    %and3A_398 = arith.andi %add3A_394, %and3A_397 : i32
    %mul3A_399 = arith.constant 4 : i32
    %mul3A_400 = arith.muli %shift_right_logical3A_396, %mul3A_399 : i32
    %mul3A_401 = arith.constant 128 : i32
    %mul3A_402 = arith.muli %mul3A_400, %mul3A_401 : i32
    %mul3A_403 = arith.constant 4 : i32
    %mul3A_404 = arith.muli %and3A_398, %mul3A_403 : i32
    %add3A_405 = arith.addi %mul3A_402, %mul3A_404 : i32
    %add3A_406 = arith.constant 0 : i32
    %add3A_407 = arith.addi %add3A_405, %add3A_406 : i32
    %mul3A_408 = arith.constant 1024 : i32
    %mul3A_409 = arith.muli %add3A_407, %mul3A_408 : i32
    %add3A_410 = arith.constant 128 : i32
    %add3A_411 = arith.addi %add3A_405, %add3A_410 : i32
    %mul3A_412 = arith.constant 1024 : i32
    %mul3A_413 = arith.muli %add3A_411, %mul3A_412 : i32
    %add3A_414 = arith.constant 256 : i32
    %add3A_415 = arith.addi %add3A_405, %add3A_414 : i32
    %mul3A_416 = arith.constant 1024 : i32
    %mul3A_417 = arith.muli %add3A_415, %mul3A_416 : i32
    %add3A_418 = arith.constant 384 : i32
    %add3A_419 = arith.addi %add3A_405, %add3A_418 : i32
    %mul3A_420 = arith.constant 1024 : i32
    %mul3A_421 = arith.muli %add3A_419, %mul3A_420 : i32
    %dma_wait3A_422 = arith.constant 0 : i32
    %dma_wait3A_423 = arith.constant 0 : i32
    %dma_wait3A_424 = tpu.memref_slice %arg7[%dma_wait3A_422, %dma_wait3A_423] : memref<2x16384xf32, #tpu.memory_space<vmem>> -> memref<1x4096xf32, #tpu.memory_space<vmem>>
    %dma_wait3A_425 = tpu.memref_squeeze %dma_wait3A_424 : memref<1x4096xf32, #tpu.memory_space<vmem>> -> memref<4096xf32, #tpu.memory_space<vmem>>
    %dma_wait3A_426 = tpu.memref_slice %arg4[%mul3A_409] : memref<104857600xf32, #tpu.memory_space<hbm>> -> memref<4096xf32, #tpu.memory_space<hbm>>
    %dma_wait3A_427 = tpu.memref_slice %arg4[%mul3A_409] : memref<104857600xf32, #tpu.memory_space<hbm>> -> memref<4096xf32, #tpu.memory_space<hbm>>
    %dma_wait3A_428 = arith.constant 0 : i32
    %dma_wait3A_429 = tpu.memref_slice %arg7[%dma_wait3A_422, %dma_wait3A_428] : memref<2x16384xf32, #tpu.memory_space<vmem>> -> memref<1x4096xf32, #tpu.memory_space<vmem>>
    %dma_wait3A_430 = tpu.memref_squeeze %dma_wait3A_429 : memref<1x4096xf32, #tpu.memory_space<vmem>> -> memref<4096xf32, #tpu.memory_space<vmem>>
    tpu.wait_dma2 semaphore(%arg12 : memref<!tpu.dma_semaphore, #tpu.memory_space<semaphore_mem>>) src(%dma_wait3A_430 : memref<4096xf32, #tpu.memory_space<vmem>>) dst(%dma_wait3A_427 : memref<4096xf32, #tpu.memory_space<hbm>>)
    %dma_wait3A_431 = arith.constant 0 : i32
    %dma_wait3A_432 = arith.constant 4096 : i32
    %dma_wait3A_433 = tpu.memref_slice %arg7[%dma_wait3A_431, %dma_wait3A_432] : memref<2x16384xf32, #tpu.memory_space<vmem>> -> memref<1x4096xf32, #tpu.memory_space<vmem>>
    %dma_wait3A_434 = tpu.memref_squeeze %dma_wait3A_433 : memref<1x4096xf32, #tpu.memory_space<vmem>> -> memref<4096xf32, #tpu.memory_space<vmem>>
    %dma_wait3A_435 = tpu.memref_slice %arg4[%mul3A_413] : memref<104857600xf32, #tpu.memory_space<hbm>> -> memref<4096xf32, #tpu.memory_space<hbm>>
    %dma_wait3A_436 = tpu.memref_slice %arg4[%mul3A_413] : memref<104857600xf32, #tpu.memory_space<hbm>> -> memref<4096xf32, #tpu.memory_space<hbm>>
    %dma_wait3A_437 = arith.constant 4096 : i32
    %dma_wait3A_438 = tpu.memref_slice %arg7[%dma_wait3A_431, %dma_wait3A_437] : memref<2x16384xf32, #tpu.memory_space<vmem>> -> memref<1x4096xf32, #tpu.memory_space<vmem>>
    %dma_wait3A_439 = tpu.memref_squeeze %dma_wait3A_438 : memref<1x4096xf32, #tpu.memory_space<vmem>> -> memref<4096xf32, #tpu.memory_space<vmem>>
    tpu.wait_dma2 semaphore(%arg12 : memref<!tpu.dma_semaphore, #tpu.memory_space<semaphore_mem>>) src(%dma_wait3A_439 : memref<4096xf32, #tpu.memory_space<vmem>>) dst(%dma_wait3A_436 : memref<4096xf32, #tpu.memory_space<hbm>>)
    %dma_wait3A_440 = arith.constant 0 : i32
    %dma_wait3A_441 = arith.constant 8192 : i32
    %dma_wait3A_442 = tpu.memref_slice %arg7[%dma_wait3A_440, %dma_wait3A_441] : memref<2x16384xf32, #tpu.memory_space<vmem>> -> memref<1x4096xf32, #tpu.memory_space<vmem>>
    %dma_wait3A_443 = tpu.memref_squeeze %dma_wait3A_442 : memref<1x4096xf32, #tpu.memory_space<vmem>> -> memref<4096xf32, #tpu.memory_space<vmem>>
    %dma_wait3A_444 = tpu.memref_slice %arg4[%mul3A_417] : memref<104857600xf32, #tpu.memory_space<hbm>> -> memref<4096xf32, #tpu.memory_space<hbm>>
    %dma_wait3A_445 = tpu.memref_slice %arg4[%mul3A_417] : memref<104857600xf32, #tpu.memory_space<hbm>> -> memref<4096xf32, #tpu.memory_space<hbm>>
    %dma_wait3A_446 = arith.constant 8192 : i32
    %dma_wait3A_447 = tpu.memref_slice %arg7[%dma_wait3A_440, %dma_wait3A_446] : memref<2x16384xf32, #tpu.memory_space<vmem>> -> memref<1x4096xf32, #tpu.memory_space<vmem>>
    %dma_wait3A_448 = tpu.memref_squeeze %dma_wait3A_447 : memref<1x4096xf32, #tpu.memory_space<vmem>> -> memref<4096xf32, #tpu.memory_space<vmem>>
    tpu.wait_dma2 semaphore(%arg12 : memref<!tpu.dma_semaphore, #tpu.memory_space<semaphore_mem>>) src(%dma_wait3A_448 : memref<4096xf32, #tpu.memory_space<vmem>>) dst(%dma_wait3A_445 : memref<4096xf32, #tpu.memory_space<hbm>>)
    %dma_wait3A_449 = arith.constant 0 : i32
    %dma_wait3A_450 = arith.constant 12288 : i32
    %dma_wait3A_451 = tpu.memref_slice %arg7[%dma_wait3A_449, %dma_wait3A_450] : memref<2x16384xf32, #tpu.memory_space<vmem>> -> memref<1x4096xf32, #tpu.memory_space<vmem>>
    %dma_wait3A_452 = tpu.memref_squeeze %dma_wait3A_451 : memref<1x4096xf32, #tpu.memory_space<vmem>> -> memref<4096xf32, #tpu.memory_space<vmem>>
    %dma_wait3A_453 = tpu.memref_slice %arg4[%mul3A_421] : memref<104857600xf32, #tpu.memory_space<hbm>> -> memref<4096xf32, #tpu.memory_space<hbm>>
    %dma_wait3A_454 = tpu.memref_slice %arg4[%mul3A_421] : memref<104857600xf32, #tpu.memory_space<hbm>> -> memref<4096xf32, #tpu.memory_space<hbm>>
    %dma_wait3A_455 = arith.constant 12288 : i32
    %dma_wait3A_456 = tpu.memref_slice %arg7[%dma_wait3A_449, %dma_wait3A_455] : memref<2x16384xf32, #tpu.memory_space<vmem>> -> memref<1x4096xf32, #tpu.memory_space<vmem>>
    %dma_wait3A_457 = tpu.memref_squeeze %dma_wait3A_456 : memref<1x4096xf32, #tpu.memory_space<vmem>> -> memref<4096xf32, #tpu.memory_space<vmem>>
    tpu.wait_dma2 semaphore(%arg12 : memref<!tpu.dma_semaphore, #tpu.memory_space<semaphore_mem>>) src(%dma_wait3A_457 : memref<4096xf32, #tpu.memory_space<vmem>>) dst(%dma_wait3A_454 : memref<4096xf32, #tpu.memory_space<hbm>>)
    %add3A_458 = arith.constant 199 : i32
    %add3A_459 = arith.addi %mul3A_2, %add3A_458 : i32
    %shift_right_logical3A_460 = arith.constant 5 : i32
    %shift_right_logical3A_461 = arith.shrui %add3A_459, %shift_right_logical3A_460 : i32
    %and3A_462 = arith.constant 31 : i32
    %and3A_463 = arith.andi %add3A_459, %and3A_462 : i32
    %mul3A_464 = arith.constant 4 : i32
    %mul3A_465 = arith.muli %shift_right_logical3A_461, %mul3A_464 : i32
    %mul3A_466 = arith.constant 128 : i32
    %mul3A_467 = arith.muli %mul3A_465, %mul3A_466 : i32
    %mul3A_468 = arith.constant 4 : i32
    %mul3A_469 = arith.muli %and3A_463, %mul3A_468 : i32
    %add3A_470 = arith.addi %mul3A_467, %mul3A_469 : i32
    %add3A_471 = arith.constant 0 : i32
    %add3A_472 = arith.addi %add3A_470, %add3A_471 : i32
    %mul3A_473 = arith.constant 1024 : i32
    %mul3A_474 = arith.muli %add3A_472, %mul3A_473 : i32
    %add3A_475 = arith.constant 128 : i32
    %add3A_476 = arith.addi %add3A_470, %add3A_475 : i32
    %mul3A_477 = arith.constant 1024 : i32
    %mul3A_478 = arith.muli %add3A_476, %mul3A_477 : i32
    %add3A_479 = arith.constant 256 : i32
    %add3A_480 = arith.addi %add3A_470, %add3A_479 : i32
    %mul3A_481 = arith.constant 1024 : i32
    %mul3A_482 = arith.muli %add3A_480, %mul3A_481 : i32
    %add3A_483 = arith.constant 384 : i32
    %add3A_484 = arith.addi %add3A_470, %add3A_483 : i32
    %mul3A_485 = arith.constant 1024 : i32
    %mul3A_486 = arith.muli %add3A_484, %mul3A_485 : i32
    %dma_wait3A_487 = arith.constant 1 : i32
    %dma_wait3A_488 = arith.constant 0 : i32
    %dma_wait3A_489 = tpu.memref_slice %arg7[%dma_wait3A_487, %dma_wait3A_488] : memref<2x16384xf32, #tpu.memory_space<vmem>> -> memref<1x4096xf32, #tpu.memory_space<vmem>>
    %dma_wait3A_490 = tpu.memref_squeeze %dma_wait3A_489 : memref<1x4096xf32, #tpu.memory_space<vmem>> -> memref<4096xf32, #tpu.memory_space<vmem>>
    %dma_wait3A_491 = tpu.memref_slice %arg4[%mul3A_474] : memref<104857600xf32, #tpu.memory_space<hbm>> -> memref<4096xf32, #tpu.memory_space<hbm>>
    %dma_wait3A_492 = tpu.memref_slice %arg4[%mul3A_474] : memref<104857600xf32, #tpu.memory_space<hbm>> -> memref<4096xf32, #tpu.memory_space<hbm>>
    %dma_wait3A_493 = arith.constant 0 : i32
    %dma_wait3A_494 = tpu.memref_slice %arg7[%dma_wait3A_487, %dma_wait3A_493] : memref<2x16384xf32, #tpu.memory_space<vmem>> -> memref<1x4096xf32, #tpu.memory_space<vmem>>
    %dma_wait3A_495 = tpu.memref_squeeze %dma_wait3A_494 : memref<1x4096xf32, #tpu.memory_space<vmem>> -> memref<4096xf32, #tpu.memory_space<vmem>>
    tpu.wait_dma2 semaphore(%arg13 : memref<!tpu.dma_semaphore, #tpu.memory_space<semaphore_mem>>) src(%dma_wait3A_495 : memref<4096xf32, #tpu.memory_space<vmem>>) dst(%dma_wait3A_492 : memref<4096xf32, #tpu.memory_space<hbm>>)
    %dma_wait3A_496 = arith.constant 1 : i32
    %dma_wait3A_497 = arith.constant 4096 : i32
    %dma_wait3A_498 = tpu.memref_slice %arg7[%dma_wait3A_496, %dma_wait3A_497] : memref<2x16384xf32, #tpu.memory_space<vmem>> -> memref<1x4096xf32, #tpu.memory_space<vmem>>
    %dma_wait3A_499 = tpu.memref_squeeze %dma_wait3A_498 : memref<1x4096xf32, #tpu.memory_space<vmem>> -> memref<4096xf32, #tpu.memory_space<vmem>>
    %dma_wait3A_500 = tpu.memref_slice %arg4[%mul3A_478] : memref<104857600xf32, #tpu.memory_space<hbm>> -> memref<4096xf32, #tpu.memory_space<hbm>>
    %dma_wait3A_501 = tpu.memref_slice %arg4[%mul3A_478] : memref<104857600xf32, #tpu.memory_space<hbm>> -> memref<4096xf32, #tpu.memory_space<hbm>>
    %dma_wait3A_502 = arith.constant 4096 : i32
    %dma_wait3A_503 = tpu.memref_slice %arg7[%dma_wait3A_496, %dma_wait3A_502] : memref<2x16384xf32, #tpu.memory_space<vmem>> -> memref<1x4096xf32, #tpu.memory_space<vmem>>
    %dma_wait3A_504 = tpu.memref_squeeze %dma_wait3A_503 : memref<1x4096xf32, #tpu.memory_space<vmem>> -> memref<4096xf32, #tpu.memory_space<vmem>>
    tpu.wait_dma2 semaphore(%arg13 : memref<!tpu.dma_semaphore, #tpu.memory_space<semaphore_mem>>) src(%dma_wait3A_504 : memref<4096xf32, #tpu.memory_space<vmem>>) dst(%dma_wait3A_501 : memref<4096xf32, #tpu.memory_space<hbm>>)
    %dma_wait3A_505 = arith.constant 1 : i32
    %dma_wait3A_506 = arith.constant 8192 : i32
    %dma_wait3A_507 = tpu.memref_slice %arg7[%dma_wait3A_505, %dma_wait3A_506] : memref<2x16384xf32, #tpu.memory_space<vmem>> -> memref<1x4096xf32, #tpu.memory_space<vmem>>
    %dma_wait3A_508 = tpu.memref_squeeze %dma_wait3A_507 : memref<1x4096xf32, #tpu.memory_space<vmem>> -> memref<4096xf32, #tpu.memory_space<vmem>>
    %dma_wait3A_509 = tpu.memref_slice %arg4[%mul3A_482] : memref<104857600xf32, #tpu.memory_space<hbm>> -> memref<4096xf32, #tpu.memory_space<hbm>>
    %dma_wait3A_510 = tpu.memref_slice %arg4[%mul3A_482] : memref<104857600xf32, #tpu.memory_space<hbm>> -> memref<4096xf32, #tpu.memory_space<hbm>>
    %dma_wait3A_511 = arith.constant 8192 : i32
    %dma_wait3A_512 = tpu.memref_slice %arg7[%dma_wait3A_505, %dma_wait3A_511] : memref<2x16384xf32, #tpu.memory_space<vmem>> -> memref<1x4096xf32, #tpu.memory_space<vmem>>
    %dma_wait3A_513 = tpu.memref_squeeze %dma_wait3A_512 : memref<1x4096xf32, #tpu.memory_space<vmem>> -> memref<4096xf32, #tpu.memory_space<vmem>>
    tpu.wait_dma2 semaphore(%arg13 : memref<!tpu.dma_semaphore, #tpu.memory_space<semaphore_mem>>) src(%dma_wait3A_513 : memref<4096xf32, #tpu.memory_space<vmem>>) dst(%dma_wait3A_510 : memref<4096xf32, #tpu.memory_space<hbm>>)
    %dma_wait3A_514 = arith.constant 1 : i32
    %dma_wait3A_515 = arith.constant 12288 : i32
    %dma_wait3A_516 = tpu.memref_slice %arg7[%dma_wait3A_514, %dma_wait3A_515] : memref<2x16384xf32, #tpu.memory_space<vmem>> -> memref<1x4096xf32, #tpu.memory_space<vmem>>
    %dma_wait3A_517 = tpu.memref_squeeze %dma_wait3A_516 : memref<1x4096xf32, #tpu.memory_space<vmem>> -> memref<4096xf32, #tpu.memory_space<vmem>>
    %dma_wait3A_518 = tpu.memref_slice %arg4[%mul3A_486] : memref<104857600xf32, #tpu.memory_space<hbm>> -> memref<4096xf32, #tpu.memory_space<hbm>>
    %dma_wait3A_519 = tpu.memref_slice %arg4[%mul3A_486] : memref<104857600xf32, #tpu.memory_space<hbm>> -> memref<4096xf32, #tpu.memory_space<hbm>>
    %dma_wait3A_520 = arith.constant 12288 : i32
    %dma_wait3A_521 = tpu.memref_slice %arg7[%dma_wait3A_514, %dma_wait3A_520] : memref<2x16384xf32, #tpu.memory_space<vmem>> -> memref<1x4096xf32, #tpu.memory_space<vmem>>
    %dma_wait3A_522 = tpu.memref_squeeze %dma_wait3A_521 : memref<1x4096xf32, #tpu.memory_space<vmem>> -> memref<4096xf32, #tpu.memory_space<vmem>>
    tpu.wait_dma2 semaphore(%arg13 : memref<!tpu.dma_semaphore, #tpu.memory_space<semaphore_mem>>) src(%dma_wait3A_522 : memref<4096xf32, #tpu.memory_space<vmem>>) dst(%dma_wait3A_519 : memref<4096xf32, #tpu.memory_space<hbm>>)
    return
  }
}

</mosaic_0001>

<sc_bundles>
// kernel: _gather_t.3.cloned.1.call-start
scs
__scs_entry_jumppad:
0x0: {  	(pc) =	sbr.rel $0x88, $3  }
0x1: {  	(tag) =	ssettag $0x0;
	lr =	simm.s32 $0x1  }
0x2: {  	[smem:$0x3F9F] =	sst lr;
	_ =	strace $0xD0000000  }
0x3: {  	_ = 	snop  }
0x4: {  	_ = 	snop  }
0x5: {  	_ = 	snop  }
0x6: {  	_ = 	snop  }
0x7: {  	_ = 	snop  }
__scs_overlays_trampoline_lowered:
0x8: {  	[smem:$0x3FAE] =	sst s0  }
0x9: {  	[smem:$0x3FAF] =	sst s1  }
0xa: {  	[smem:$0x3FB0] =	sst s2  }
0xb: {  	[smem:$0x3FB1] =	sst s3  }
0xc: {  	[smem:$0x3FB2] =	sst s4  }
0xd: {  	[smem:$0x3FB3] =	sst s5  }
0xe: {  	[smem:$0x3FB4] =	sst s6  }
0xf: {  	[smem:$0x3FB5] =	sst s7  }
0x10: {  	[smem:$0x3FB6] =	sst s8  }
0x11: {  	[smem:$0x3FB7] =	sst s9;
	s0 =	simm.s32 @!p0 $0x0  }
0x12: {  	s1 =	sld [smem:$0x3F9D];
	s0 =	simm.s32 @p0 $0x1  }
0x13: {  	[smem:$0x3FB8] =	sst s0;
	s0 =	simm.s32 @!p1 $0x0  }
0x14: {  	s2 =	sld [smem:$0x3F9C];
	s0 =	simm.s32 @p1 $0x1  }
0x15: {  	[smem:$0x3FB9] =	sst s0;
	s0 =	simm.s32 @!p2 $0x0  }
0x16: {  	s3 =	sld [smem:$0x3FDB];
	s0 =	simm.s32 @p2 $0x1  }
0x17: {  	s4 =	simm.s32 $0x1BF5;
	[smem:$0x3FBB] =	sst s0  }
0x18: {  	s0 =	sld [smem:$0x3F9E];
	_ =	swait.ge [sflag:s4], $0x0  }
0x19: {  	s7 =	sld [smem:$0x3F9F]  }
0x1a: {  	s8 =	sadd.s32 $0xFFFFE003, lr  }
0x1b: {  	s9 =	sadd.s32 $0xFFFFFEF7, lr;
	s5 =	simm.s32 $0xFFFFFFFF;
	p2 =	slt.u32 s8, $0xFFFFF086  }
0x1c: {  	p1 =	slt.u32 s9, $0xF7A;
	s5 =	simm.s32 @!p2 $0x0  }
0x1d: {  	s5 =	simm.s32 @p1 $0x1;
	p0 =	seq.s32 s7, s2  }
0x1e: {  	s7 =	smul.u32 @!p0 $0xF7A, s2;
	p2 =	seq.s32 @!p0 s5, $0x0  }
0x1f: {  	s9 =	smul.u32 $0xF7A, s1;
	s8 =	simm.s32 @!p0 $0x1BF5;
	p2 =	por !p2, p0  }
0x20: {  	[sflag:s8] =	ssyncset.s32 @!p0 $0xFFFFF086;
	s6 =	sadd.s32 @!p0 s3, s7;
	s7 =	simm.s32 @!p0 $0x108  }
0x21: {  	s3 =	sadd.s32 s3, s9;
	s6 =	sadd.s32 @!p0 $0x88, s6;
	s7 =	simm.s32 @p2 $0x1082  }
0x22: {  	[simem:s7], [sflag:s8] =	dma.local @!p0 [hbm:s6], $0xF7A  }
0x23: {  	s9 =	sor.u32 $0xD0000000, s2;
	s6 =	simm.s32 $0x108;
	_ =	swait.ge @!p0 [sflag:s8], $0x0  }
0x24: {  	s3 =	sadd.s32 $0x88, s3;
	s6 =	simm.s32 @!p1 $0x1082;
	[sflag:s4] =	ssyncset.s32 $0xFFFFF086  }
0x25: {  	[simem:s6], [sflag:s4] =	dma.local [hbm:s3], $0xF7A  }
0x26: {  	[smem:$0x3F9F] =	sst s1;
	(tag) =	ssettag s2;
	_ =	strace s9  }
0x27: {  	s1 =	sld [smem:$0x3FAF]  }
0x28: {  	s2 =	sld [smem:$0x3FB0]  }
0x29: {  	s4 =	sld [smem:$0x3FB2]  }
0x2a: {  	p0 =	seq.s32 s5, $0x0;
	s5 =	sld [smem:$0x3FB3]  }
0x2b: {  	s6 =	sld [smem:$0x3FB4]  }
0x2c: {  	s7 =	sld [smem:$0x3FB5]  }
0x2d: {  	s3 =	simm.s32 $0x108;
	s8 =	sld [smem:$0x3FB6]  }
0x2e: {  	s3 =	simm.s32 @!p0 $0x1082;
	s9 =	sld [smem:$0x3FB7]  }
0x2f: {  	lr =	sadd.s32 s0, s3;
	s0 =	sld [smem:$0x3FAE]  }
0x30: {  	s3 =	sld [smem:$0x3FB1]  }
0x31: {  	[smem:$0x3FBA] =	sst s10  }
0x32: {  	s10 =	sld [smem:$0x3FB8];
	_ =	sdelay $0x3  }
0x33: {  	p0 =	seq.s32 s10, $0x1;
	s10 =	sld [smem:$0x3FBA];
	_ =	sdelay $0x3  }
0x34: {  	[smem:$0x3FBA] =	sst s10  }
0x35: {  	s10 =	sld [smem:$0x3FB9];
	_ =	sdelay $0x3  }
0x36: {  	p1 =	seq.s32 s10, $0x1;
	s10 =	sld [smem:$0x3FBA];
	_ =	sdelay $0x3  }
0x37: {  	[smem:$0x3FBA] =	sst s10  }
0x38: {  	s10 =	sld [smem:$0x3FBB]  }
0x39: {  	_ = 	snop;
	(pc) =	sbr.ind lr, $3  }
0x3a: {  	_ = 	snop  }
0x3b: {  	_ = 	snop  }
0x3c: {  	p2 =	seq.s32 s10, $0x1;
	s10 =	sld [smem:$0x3FBA]  }
0x3d: {  	_ =	shalt  }
0x3e: {  	_ =	shalt  }
0x3f: {  	_ =	shalt  }
0x40: {  	_ =	shalt  }
0x41: {  	_ =	shalt  }
0x42: {  	_ =	shalt  }
0x43: {  	_ =	shalt  }
0x44: {  	_ =	shalt  }
0x45: {  	_ =	shalt  }
0x46: {  	_ =	shalt  }
0x47: {  	_ =	shalt  }
0x48: {  	_ =	shalt  }
0x49: {  	_ =	shalt  }
0x4a: {  	_ =	shalt  }
0x4b: {  	_ =	shalt  }
0x4c: {  	_ =	shalt  }
0x4d: {  	_ =	shalt  }
0x4e: {  	_ =	shalt  }
0x4f: {  	_ =	shalt  }
0x50: {  	_ =	shalt  }
0x51: {  	_ =	shalt  }
0x52: {  	_ =	shalt  }
0x53: {  	_ =	shalt  }
0x54: {  	_ =	shalt  }
0x55: {  	_ =	shalt  }
0x56: {  	_ =	shalt  }
0x57: {  	_ =	shalt  }
0x58: {  	_ =	shalt  }
0x59: {  	_ =	shalt  }
0x5a: {  	_ =	shalt  }
0x5b: {  	_ =	shalt  }
0x5c: {  	_ =	shalt  }
0x5d: {  	_ =	shalt  }
0x5e: {  	_ =	shalt  }
0x5f: {  	_ =	shalt  }
0x60: {  	_ =	shalt  }
0x61: {  	_ =	shalt  }
0x62: {  	_ =	shalt  }
0x63: {  	_ =	shalt  }
0x64: {  	_ =	shalt  }
0x65: {  	_ =	shalt  }
0x66: {  	_ =	shalt  }
0x67: {  	_ =	shalt  }
0x68: {  	_ =	shalt  }
0x69: {  	_ =	shalt  }
0x6a: {  	_ =	shalt  }
0x6b: {  	_ =	shalt  }
0x6c: {  	_ =	shalt  }
0x6d: {  	_ =	shalt  }
0x6e: {  	_ =	shalt  }
0x6f: {  	_ =	shalt  }
0x70: {  	_ =	shalt  }
0x71: {  	_ =	shalt  }
0x72: {  	_ =	shalt  }
0x73: {  	_ =	shalt  }
0x74: {  	_ =	shalt  }
0x75: {  	_ =	shalt  }
0x76: {  	_ =	shalt  }
0x77: {  	_ =	shalt  }
0x78: {  	_ =	shalt  }
0x79: {  	_ =	shalt  }
0x7a: {  	_ =	shalt  }
0x7b: {  	_ =	shalt  }
0x7c: {  	_ =	shalt  }
0x7d: {  	_ =	shalt  }
0x7e: {  	_ =	shalt  }
0x7f: {  	_ =	shalt  }
0x80: {  	_ =	shalt  }
0x81: {  	_ =	shalt  }
0x82: {  	_ =	shalt  }
0x83: {  	_ =	shalt  }
0x84: {  	_ =	shalt  }
0x85: {  	_ =	shalt  }
0x86: {  	_ =	shalt  }
0x87: {  	_ =	shalt  }
.Lfunc_end0:
.L_simem_size_0:
called_computation_lowered:
.L_overlay_start_0:
0x88: {  	s2 =	sld [smem:$0x3FD9]  }
0x89: {  	s3 =	sld [smem:$0x3FFE];
	_ =	sdelay $0x1  }
0x8a: {  	s1 =	srdreg.scid  }
0x8b: {  	s0 =	sand.u32 $0x1, s1  }
0x8c: {  	s17 =	sshll.u32 s0, $0xA;
	s2 =	sadd.s32 s3, s2  }
0x8d: {  	s2 =	sadd.s32 s2, s17  }
0x8e: {  	[smem:$0x3FC6] =	sst s2  }
0x8f: {  	_ = 	snop  }
0x90: {  	s2 =	sld [smem:$0x3FD0];
	(tm) =	ssettm $0x1  }
0x91: {  	s18 =	sld [smem:$0x3FFB];
	_ =	sdelay $0x3  }
0x92: {  	_ =	strace s18  }
0x93: {  	s3 =	sld [smem:$0x3FFC];
	_ =	sdelay $0x3  }
0x94: {  	_ =	strace s3  }
0x95: {  	s3 =	sld [smem:$0x3FFD];
	_ =	sdelay $0x3  }
0x96: {  	_ =	strace s3  }
0x97: {  	_ =	strace $0x8FFFFFFF  }
0x98: {  	s19 =	sld [smem:$0x3FDB];
	_ =	sdelay $0x1  }
0x99: {  	s4 =	simm.s32 $_scs_section_size  }
0x9a: {  	s5 =	simm.s32 $_size__tile_overlayer_lowered;
	s6 =	simm.s32 $_tile_overlayer_lowered  }
0x9b: {  	s22 =	simm.s32 $0x1BFF;
	s21 =	sshll.u32 s6, $0x1;
	s3 =	sadd.s32 s4, s19  }
0x9c: {  	s7 =	simm.s32 $0x0;
	s20 =	sshll.u32 s5, $0x1;
	s5 =	sadd.s32 s21, s3  }
0x9d: {  	[timem:s7], [sflag:s22] =	dma.local [hbm:s5], s20  }
0x9e: {  	_ =	swait.ge [sflag:s22], s20  }
0x9f: {  	s4 =	ssub.s32 $0x0, s20;
	[sflag:s22] =	ssyncset.done $0x0  }
0xa0: {  	[sflag:s22] =	ssyncadd.s32 s4;
	_ =	sdelay $0x1  }
0xa1: {  	s23 =	simm.s32 $0x1B8B  }
0xa2: {  	_ =	swait.ge [sflag:s23], $0x1  }
0xa3: {  	[sflag:s23] =	ssyncset.done $0x0  }
0xa4: {  	s25 =	simm.s32 $0x1B8E;
	s24 =	sld [smem:$0x3FFE];
	[sflag:s23] =	ssyncadd.s32 $0xFFFFFFFF  }
0xa5: {  	s26 =	simm.s32 $execute0_lowered;
	[smem:$0x3FD2] =	sst s25  }
0xa6: {  	s5 =	sshll.u32 s26, $0x1;
	_ =	strace $0x80000046;
	[dreg:$0x1] =	wrdreg $0xFFFFFFFF  }
0xa7: {  	s28 =	simm.s32 $_size_execute0_lowered;
	s3 =	sadd.s32 s3, s5;
	[dreg:$0x0] =	wrdreg $0x0  }
0xa8: {  	s5 =	sshll.u32 s28, $0x1;
	[dreg:$0x2] =	wrdreg s3  }
0xa9: {  	[dreg:$0x3] =	wrdreg s5  }
0xaa: {  	[dreg:$0x4] =	wrdreg $0xC0  }
0xab: {  	_ =	task [dreg:s7], $0x5FFFF  }
0xac: {  	[dreg:$0x1] =	wrdreg $0xFFFFFFFF  }
0xad: {  	[dreg:$0x0] =	wrdreg $0x60  }
0xae: {  	[dreg:$0x2] =	wrdreg s24  }
0xaf: {  	[dreg:$0x3] =	wrdreg s2  }
0xb0: {  	[dreg:$0x4] =	wrdreg $0x9  }
0xb1: {  	_ =	task.clear_ibuf [dreg:s7], $0x5FFFF;
	_ =	strace $0x90000046  }
0xb2: {  	s29 =	simm.s32 $0x9;
	_ =	strace $0x80000048  }
0xb3: {  	_ =	swait.ge [sflag:s29], $0x1  }
0xb4: {  	[sflag:s29] =	ssyncadd.s32 $0xFFFFFFFF  }
0xb5: {  	_ =	strace $0x90000048  }
0xb6: {  	_ =	sfence  }
0xb7: {  	s30 =	sld [smem:$0x0];
	_ =	sdelay $0x2  }
0xb8: {  	s31 =	sshll.u32 s1, $0xD;
	s1 =	sshrl.u32 s1, $0x2  }
0xb9: {  	s3 =	sand.u32 $0x4000, s31;
	s1 =	sadd.s32 s1, s30  }
0xba: {  	s0 =	sor.u32 s3, s0;
	s1 =	sshll.u32 s1, $0x11  }
0xbb: {  	s0 =	sor.u32 s1, s0  }
0xbc: {  	s0 =	sadd.s32 $0x8F2B, s0  }
0xbd: {  	[sflag:s0] =	ssyncadd.remote.s32 $0x1  }
0xbe: {  	_ =	sfence.sel $0xFFFF  }
0xbf: {  	[dreg:$0x0] =	wrdreg $0xFFFFFFFF;
	(pc) =	sbr.abs _section_cstart, $3  }
0xc0: {  	[dreg:$0x1] =	wrdreg $0xFFFFFFFF  }
0xc1: {  	_ =	task.clear_ibuf [dreg:s7], $0x2FFFF;
	_ =	strace $0x9FFFFFFF  }
0xc2: {  	(tm) =	ssettm $0x7FFFFFFF  }
0xc3: {  	_ =	shalt  }
tec
execute0_lowered:
.L_overlay_start_1:
0x0: {  	(tag) =	ssettag $0x1  }
0x1: {  	s0 =	rddreg [dreg:$0x0];
	s1 =	srdreg.scid  }
0x2: {  	s14 =	stileid.u32;
	s2 =	rddreg [dreg:$0x1];
	s3 =	simm.s32 $0x0  }
0x3: {  	s28 =	simm.s32 $0x3;
	s29 =	simm.s32 $0x8400;
	s30 =	simm.s32 $0x9400  }
0x4: {  	s31 =	simm.s32 $0xA400;
	s1 =	sand.u32 $0x1, s1;
	s17 =	smul.u32 $0x32000, s14  }
0x5: {  	s4 =	sshll.u32 s14, $0x1;
	[smem:$0x7FF] =	sst s3;
	s20 =	smul.u32 $0x19000, s1  }
0x6: {  	s5 =	sor.u32 s1, s4;
	s7 =	ssub.s32 $0x2, s1;
	s1 =	smul.u32 $0x64000, s1  }
0x7: {  	_ =	strace $0x80000047;
	s4 =	sadd.s32 $0x600, s0;
	s6 =	smul.u32 $0xC8, s5  }
0x8: {  	s9 =	sshll.u32 s5, $0xC;
	s11 =	smul.u32 $0x19000, s5;
	s21 =	sshrl.u32 s7, $0x1  }
0x9: {  	s5 =	sadd.s32 $0xF42A00, s0;
	s9 =	sand.u32 $0x3000, s9;
	s0 =	ssub.s32 s7, s21  }
0xa: {  	s21 =	smul.u32 $0xC8000, s14;
	s14 =	simm.s32 $0x5;
	s8 =	sshrl.u32 s6, $0x5  }
0xb: {  	s11 =	sand.u32 $0x3FC000, s11;
	s23 =	sor.u32 $0x200, s9;
	s19 =	sor.u32 $0x2, s6  }
0xc: {  	s6 =	sor.u32 $0x3, s6;
	s0 =	smax.u32 s0, $0x1;
	[dreg:$0x3] =	wrdreg s19  }
0xd: {  	s10 =	sshll.u32 s8, $0xE;
	s11 =	sor.u32 s9, s11;
	[dreg:$0x4] =	wrdreg s6  }
0xe: {  	s8 =	sshll.u32 s8, $0x10;
	[dreg:$0x12] =	wrdreg s0;
	s0 =	simm.s32 $0x4  }
0xf: {  	s12 =	sor.u32 s9, s10;
	s10 =	sor.u32 s10, s23;
	s9 =	sor.u32 s9, s8  }
0x10: {  	s11 =	sshrl.u32 s11, $0x3;
	s22 =	sshrl.u32 s12, $0x3;
	s25 =	sadd.s32 s2, s9  }
0x11: {  	s10 =	sshrl.u32 s10, $0x3;
	s7 =	sadd.s32 s4, s22;
	[dreg:$0x9] =	wrdreg s25  }
0x12: {  	s13 =	sadd.s32 s11, s4;
	s10 =	sadd.s32 s4, s10;
	[dreg:$0x6] =	wrdreg s7  }
0x13: {  	s11 =	sadd.s32 $0x8000, s2;
	s24 =	sadd.s32 $0x80, s13;
	[dreg:$0x7] =	wrdreg s10  }
0x14: {  	s6 =	simm.s32 $0xC400;
	s26 =	sadd.s32 s9, s11;
	[dreg:$0x8] =	wrdreg s24  }
0x15: {  	s12 =	sadd.s32 $0xC000, s2;
	s16 =	sadd.s32 $0xC0, s13;
	[dreg:$0xb] =	wrdreg s26  }
0x16: {  	s25 =	sadd.s32 s20, s17;
	s13 =	simm.s32 $0x2;
	[dreg:$0xd] =	wrdreg s16  }
0x17: {  	s10 =	sadd.s32 $0x4000, s2;
	[dreg:$0x5] =	wrdreg s25;
	s26 =	sadd.s32 s1, s21  }
0x18: {  	s17 =	simm.s32 $0x0;
	s15 =	sadd.s32 s9, s10;
	[dreg:$0x13] =	wrdreg s26  }
0x19: {  	s7 =	sor.u32 s8, s23;
	s9 =	sadd.s32 s9, s12;
	[dreg:$0xa] =	wrdreg s15  }
0x1a: {  	s25 =	simm.s32 $0x400;
	s18 =	sadd.s32 s2, s7;
	[dreg:$0xc] =	wrdreg s9  }
0x1b: {  	s1 =	simm.s32 $0xB400;
	s22 =	sadd.s32 s7, s10;
	[dreg:$0xe] =	wrdreg s18  }
0x1c: {  	s8 =	simm.s32 $0xE400;
	s23 =	sadd.s32 s7, s11;
	[dreg:$0xf] =	wrdreg s22  }
0x1d: {  	s24 =	sadd.s32 s7, s12;
	s26 =	simm.s32 $0x4400;
	[dreg:$0x10] =	wrdreg s23  }
0x1e: {  	s7 =	simm.s32 $0xD400;
	[dreg:$0x11] =	wrdreg s24;
	s23 =	simm.s32 $0x200  }
0x1f: {  	s24 =	simm.s32 $0x1;
	s9 =	simm.s32 $0xF400;
	s15 =	simm.s32 $0x6  }
.LBB2_1:
0x20: {  	[dreg:$0x14] =	wrdreg s17  }
0x21: {  	s16 =	rddreg [dreg:$0x6]  }
0x22: {  	[tilespmem:s3], [sflag:$0x1] =	stream.linear.gather [hbm4b:s16+s3], $0x200, $0x38;
	[tilespmem:$0x10400] =	vst v63  }
0x23: {  	s20 =	rddreg [dreg:$0x7]  }
0x24: {  	[tilespmem:s23], [sflag:$0x2] =	stream.linear.gather [hbm4b:s20+s3], $0x200, $0x38;
	[tilespmem:$0x10400] =	vst v63  }
0x25: {  	_ =	swait.ge [sflag:s24], $0x200  }
0x26: {  	[sflag:s24] =	ssyncset.done $0x0  }
0x27: {  	[sflag:s24] =	ssyncadd.s32 $0xFFFFFE00  }
0x28: {  	[tilespmem:s25], [sflag:$0x3] =	stream.indirect.gather [hbm4b:s5+s23], $0x20, s3, s23, $0xb8;
	[tilespmem:$0x10400] =	vst v63  }
0x29: {  	_ =	swait.ge [sflag:s13], $0x200  }
0x2a: {  	[sflag:s13] =	ssyncset.done $0x0  }
0x2b: {  	[sflag:s13] =	ssyncadd.s32 $0xFFFFFE00  }
0x2c: {  	[tilespmem:s26], [sflag:$0x4] =	stream.indirect.gather [hbm4b:s5+s23], $0x20, s23, s23, $0xb8;
	[tilespmem:$0x10400] =	vst v63  }
0x2d: {  	_ =	swait.ge [sflag:s28], $0x4000  }
0x2e: {  	[sflag:s28] =	ssyncset.done $0x0  }
0x2f: {  	s21 =	rddreg [dreg:$0x8];
	[sflag:s28] =	ssyncadd.s32 $0xFFFFC000  }
0x30: {  	[tilespmem:s3], [sflag:$0x1] =	stream.linear.gather [hbm4b:s21+s3], $0x200, $0x38;
	[tilespmem:$0x10400] =	vst v63  }
0x31: {  	s22 =	rddreg [dreg:$0x9]  }
0x32: {  	[hbm4b:s22+s3] =	stream.linear.scatter [tilespmem:s29], [sflag:$0x5], $0x1000, $0x38;
	[tilespmem:$0x10400] =	vst v63  }
0x33: {  	s17 =	rddreg [dreg:$0xa]  }
0x34: {  	[hbm4b:s17+s3] =	stream.linear.scatter [tilespmem:s30], [sflag:$0x5], $0x1000, $0x38;
	[tilespmem:$0x10400] =	vst v63  }
0x35: {  	s18 =	rddreg [dreg:$0xb]  }
0x36: {  	[hbm4b:s18+s3] =	stream.linear.scatter [tilespmem:s31], [sflag:$0x5], $0x1000, $0x38;
	[tilespmem:$0x10400] =	vst v63  }
0x37: {  	s19 =	rddreg [dreg:$0xc]  }
0x38: {  	[hbm4b:s19+s3] =	stream.linear.scatter [tilespmem:s1], [sflag:$0x5], $0x1000, $0x38;
	[tilespmem:$0x10400] =	vst v63  }
0x39: {  	_ =	swait.ge [sflag:s24], $0x200  }
0x3a: {  	[sflag:s24] =	ssyncset.done $0x0  }
0x3b: {  	[sflag:s24] =	ssyncadd.s32 $0xFFFFFE00  }
0x3c: {  	[tilespmem:s25], [sflag:$0x3] =	stream.indirect.gather [hbm4b:s5+s23], $0x20, s3, s23, $0xb8;
	[tilespmem:$0x10400] =	vst v63  }
0x3d: {  	_ =	swait.ge [sflag:s0], $0x4000  }
0x3e: {  	[sflag:s0] =	ssyncset.done $0x0  }
0x3f: {  	s20 =	rddreg [dreg:$0xd];
	[sflag:s0] =	ssyncadd.s32 $0xFFFFC000  }
0x40: {  	[tilespmem:s23], [sflag:$0x2] =	stream.linear.gather [hbm4b:s20+s3], $0x200, $0x38;
	[tilespmem:$0x10400] =	vst v63  }
0x41: {  	s21 =	rddreg [dreg:$0xe]  }
0x42: {  	[hbm4b:s21+s3] =	stream.linear.scatter [tilespmem:s6], [sflag:$0x6], $0x1000, $0x38;
	[tilespmem:$0x10400] =	vst v63  }
0x43: {  	s22 =	rddreg [dreg:$0xf]  }
0x44: {  	[hbm4b:s22+s3] =	stream.linear.scatter [tilespmem:s7], [sflag:$0x6], $0x1000, $0x38;
	[tilespmem:$0x10400] =	vst v63  }
0x45: {  	s17 =	rddreg [dreg:$0x10]  }
0x46: {  	[hbm4b:s17+s3] =	stream.linear.scatter [tilespmem:s8], [sflag:$0x6], $0x1000, $0x38;
	[tilespmem:$0x10400] =	vst v63  }
0x47: {  	s18 =	rddreg [dreg:$0x11]  }
0x48: {  	[hbm4b:s18+s3] =	stream.linear.scatter [tilespmem:s9], [sflag:$0x6], $0x1000, $0x38;
	[tilespmem:$0x10400] =	vst v63  }
0x49: {  	_ =	swait.ge [sflag:s13], $0x200  }
0x4a: {  	[sflag:s13] =	ssyncset.done $0x0  }
0x4b: {  	[sflag:s13] =	ssyncadd.s32 $0xFFFFFE00  }
0x4c: {  	[tilespmem:s26], [sflag:$0x4] =	stream.indirect.gather [hbm4b:s5+s23], $0x20, s23, s23, $0xb8;
	[tilespmem:$0x10400] =	vst v63  }
0x4d: {  	_ =	swait.ge [sflag:s28], $0x4000  }
0x4e: {  	s18 =	smin.u32 s13, $0xC5;
	s19 =	rddreg [dreg:$0x3]  }
0x4f: {  	s17 =	sadd.s32 s18, s19  }
0x50: {  	[sflag:s28] =	ssyncset.done $0x0;
	s17 =	sshll.u32 s17, $0x6  }
0x51: {  	[sflag:s28] =	ssyncadd.s32 $0xFFFFC000;
	s17 =	sadd.s32 s4, s17  }
0x52: {  	[tilespmem:s3], [sflag:$0x1] =	stream.linear.gather [hbm4b:s17+s3], $0x200, $0x38;
	[tilespmem:$0x10400] =	vst v63  }
0x53: {  	s20 =	rddreg [dreg:$0x5];
	_ =	swait.ge [sflag:s14], $0x1000  }
0x54: {  	[sflag:s14] =	ssyncset.done $0x0  }
0x55: {  	[sflag:s14] =	ssyncadd.s32 $0xFFFFF000  }
0x56: {  	_ =	swait.ge [sflag:s14], $0x1000  }
0x57: {  	[sflag:s14] =	ssyncset.done $0x0  }
0x58: {  	[sflag:s14] =	ssyncadd.s32 $0xFFFFF000  }
0x59: {  	_ =	swait.ge [sflag:s14], $0x1000  }
0x5a: {  	s18 =	sadd.s32 $0x0, s20;
	[sflag:s14] =	ssyncset.done $0x0;
	s16 =	rddreg [dreg:$0x13]  }
0x5b: {  	s19 =	sadd.s32 $0x400, s18;
	s17 =	sadd.s32 $0x1000, s16;
	[sflag:s14] =	ssyncadd.s32 $0xFFFFF000  }
0x5c: {  	s19 =	sand.u32 $0x3C00, s19;
	s20 =	sand.u32 $0x1FFF0000, s17;
	_ =	swait.ge [sflag:s14], $0x1000  }
0x5d: {  	s19 =	sor.u32 s19, s20;
	[sflag:s14] =	ssyncset.done $0x0  }
0x5e: {  	s20 =	sadd.s32 s2, s19;
	[sflag:s14] =	ssyncadd.s32 $0xFFFFF000  }
0x5f: {  	[hbm4b:s20+s3] =	stream.linear.scatter [tilespmem:s29], [sflag:$0x5], $0x1000, $0x38;
	[tilespmem:$0x10400] =	vst v63  }
0x60: {  	s21 =	sadd.s32 s19, s10  }
0x61: {  	[hbm4b:s21+s3] =	stream.linear.scatter [tilespmem:s30], [sflag:$0x5], $0x1000, $0x38;
	[tilespmem:$0x10400] =	vst v63  }
0x62: {  	s22 =	sadd.s32 s19, s11  }
0x63: {  	[hbm4b:s22+s3] =	stream.linear.scatter [tilespmem:s31], [sflag:$0x5], $0x1000, $0x38;
	[tilespmem:$0x10400] =	vst v63  }
0x64: {  	s19 =	sadd.s32 s19, s12  }
0x65: {  	[hbm4b:s19+s3] =	stream.linear.scatter [tilespmem:s1], [sflag:$0x5], $0x1000, $0x38;
	[tilespmem:$0x10400] =	vst v63  }
0x66: {  	_ =	swait.ge [sflag:s24], $0x200  }
0x67: {  	[sflag:s24] =	ssyncset.done $0x0  }
0x68: {  	[sflag:s24] =	ssyncadd.s32 $0xFFFFFE00  }
0x69: {  	[tilespmem:s25], [sflag:$0x3] =	stream.indirect.gather [hbm4b:s5+s23], $0x20, s3, s23, $0xb8;
	[tilespmem:$0x10400] =	vst v63  }
0x6a: {  	_ =	swait.ge [sflag:s0], $0x4000  }
0x6b: {  	s22 =	smin.u32 s13, $0xC4;
	s21 =	rddreg [dreg:$0x4]  }
0x6c: {  	s19 =	sadd.s32 s22, s21  }
0x6d: {  	[sflag:s0] =	ssyncset.done $0x0;
	s19 =	sshll.u32 s19, $0x6  }
0x6e: {  	[sflag:s0] =	ssyncadd.s32 $0xFFFFC000;
	s19 =	sadd.s32 s4, s19  }
0x6f: {  	[tilespmem:s23], [sflag:$0x2] =	stream.linear.gather [hbm4b:s19+s3], $0x200, $0x38;
	[tilespmem:$0x10400] =	vst v63  }
0x70: {  	_ =	swait.ge [sflag:s15], $0x1000  }
0x71: {  	[sflag:s15] =	ssyncset.done $0x0  }
0x72: {  	[sflag:s15] =	ssyncadd.s32 $0xFFFFF000  }
0x73: {  	_ =	swait.ge [sflag:s15], $0x1000  }
0x74: {  	[sflag:s15] =	ssyncset.done $0x0  }
0x75: {  	[sflag:s15] =	ssyncadd.s32 $0xFFFFF000  }
0x76: {  	_ =	swait.ge [sflag:s15], $0x1000  }
0x77: {  	[sflag:s15] =	ssyncset.done $0x0  }
0x78: {  	s18 =	sadd.s32 $0x600, s18;
	s20 =	sadd.s32 $0x1800, s16;
	[sflag:s15] =	ssyncadd.s32 $0xFFFFF000  }
0x79: {  	s18 =	sand.u32 $0x3E00, s18;
	s19 =	sand.u32 $0x1FFF0000, s20;
	_ =	swait.ge [sflag:s15], $0x1000  }
0x7a: {  	s19 =	sor.u32 s18, s19;
	[sflag:s15] =	ssyncset.done $0x0  }
0x7b: {  	s18 =	sadd.s32 s2, s19;
	[sflag:s15] =	ssyncadd.s32 $0xFFFFF000  }
0x7c: {  	[hbm4b:s18+s3] =	stream.linear.scatter [tilespmem:s6], [sflag:$0x6], $0x1000, $0x38;
	[tilespmem:$0x10400] =	vst v63  }
0x7d: {  	s21 =	sadd.s32 s19, s10;
	s22 =	sadd.s32 s19, s11  }
0x7e: {  	[hbm4b:s21+s3] =	stream.linear.scatter [tilespmem:s7], [sflag:$0x6], $0x1000, $0x38;
	[tilespmem:$0x10400] =	vst v63  }
0x7f: {  	s20 =	sadd.s32 s19, s12;
	s19 =	simm.s32 $0x4;
	s18 =	simm.s32 $0x400  }
0x80: {  	[hbm4b:s22+s3] =	stream.linear.scatter [tilespmem:s8], [sflag:$0x6], $0x1000, $0x38;
	[tilespmem:$0x10400] =	vst v63  }
.LBB2_2:
0x81: {  	[hbm4b:s20+s3] =	stream.linear.scatter [tilespmem:s9], [sflag:$0x6], $0x1000, $0x38;
	[tilespmem:$0x10400] =	vst v63  }
0x82: {  	_ =	swait.ge [sflag:s13], $0x200  }
0x83: {  	[sflag:s13] =	ssyncset.done $0x0  }
0x84: {  	[sflag:s13] =	ssyncadd.s32 $0xFFFFFE00  }
0x85: {  	[tilespmem:s26], [sflag:$0x4] =	stream.indirect.gather [hbm4b:s5+s23], $0x20, s23, s23, $0xb8;
	[tilespmem:$0x10400] =	vst v63  }
0x86: {  	_ =	swait.ge [sflag:s28], $0x4000  }
0x87: {  	s22 =	smin.u32 s19, $0xC5;
	s21 =	rddreg [dreg:$0x3]  }
0x88: {  	s21 =	sadd.s32 s22, s21  }
0x89: {  	[sflag:s28] =	ssyncset.done $0x0;
	s21 =	sshll.u32 s21, $0x6  }
0x8a: {  	[sflag:s28] =	ssyncadd.s32 $0xFFFFC000;
	s21 =	sadd.s32 s4, s21  }
0x8b: {  	[tilespmem:s3], [sflag:$0x1] =	stream.linear.gather [hbm4b:s21+s3], $0x200, $0x38;
	[tilespmem:$0x10400] =	vst v63  }
0x8c: {  	s16 =	rddreg [dreg:$0x5];
	_ =	swait.ge [sflag:s14], $0x1000  }
0x8d: {  	[sflag:s14] =	ssyncset.done $0x0  }
0x8e: {  	[sflag:s14] =	ssyncadd.s32 $0xFFFFF000  }
0x8f: {  	_ =	swait.ge [sflag:s14], $0x1000  }
0x90: {  	[sflag:s14] =	ssyncset.done $0x0  }
0x91: {  	s20 =	smov.u32 s18;
	[sflag:s14] =	ssyncadd.s32 $0xFFFFF000  }
0x92: {  	s20 =	sadd.s32 s20, s16;
	_ =	swait.ge [sflag:s14], $0x1000  }
0x93: {  	s22 =	sadd.s32 $0x400, s20;
	[sflag:s14] =	ssyncset.done $0x0  }
0x94: {  	s21 =	sadd.s32 $0x1800, s17;
	s17 =	sadd.s32 $0x1000, s17;
	[sflag:s14] =	ssyncadd.s32 $0xFFFFF000  }
0x95: {  	s22 =	sand.u32 $0x3C00, s22;
	s16 =	sand.u32 $0x1FFF0000, s17;
	_ =	swait.ge [sflag:s14], $0x1000  }
0x96: {  	s16 =	sor.u32 s22, s16;
	[sflag:s14] =	ssyncset.done $0x0  }
0x97: {  	s22 =	sadd.s32 s2, s16;
	[sflag:s14] =	ssyncadd.s32 $0xFFFFF000  }
0x98: {  	[hbm4b:s22+s3] =	stream.linear.scatter [tilespmem:s29], [sflag:$0x5], $0x1000, $0x38;
	[tilespmem:$0x10400] =	vst v63  }
0x99: {  	s22 =	sadd.s32 s16, s10  }
0x9a: {  	[hbm4b:s22+s3] =	stream.linear.scatter [tilespmem:s30], [sflag:$0x5], $0x1000, $0x38;
	[tilespmem:$0x10400] =	vst v63  }
0x9b: {  	s22 =	sadd.s32 s16, s11  }
0x9c: {  	[hbm4b:s22+s3] =	stream.linear.scatter [tilespmem:s31], [sflag:$0x5], $0x1000, $0x38;
	[tilespmem:$0x10400] =	vst v63  }
0x9d: {  	s16 =	sadd.s32 s16, s12  }
0x9e: {  	[hbm4b:s16+s3] =	stream.linear.scatter [tilespmem:s1], [sflag:$0x5], $0x1000, $0x38;
	[tilespmem:$0x10400] =	vst v63  }
0x9f: {  	_ =	swait.ge [sflag:s24], $0x200  }
0xa0: {  	[sflag:s24] =	ssyncset.done $0x0  }
0xa1: {  	s20 =	sadd.s32 $0x600, s20;
	[sflag:s24] =	ssyncadd.s32 $0xFFFFFE00  }
0xa2: {  	[tilespmem:s25], [sflag:$0x3] =	stream.indirect.gather [hbm4b:s5+s23], $0x20, s3, s23, $0xb8;
	[tilespmem:$0x10400] =	vst v63  }
0xa3: {  	s20 =	sand.u32 $0x3E00, s20;
	s21 =	sand.u32 $0x1FFF0000, s21;
	_ =	swait.ge [sflag:s0], $0x4000  }
0xa4: {  	s20 =	sor.u32 s20, s21;
	s22 =	smin.u32 s19, $0xC4;
	s21 =	rddreg [dreg:$0x4]  }
0xa5: {  	s16 =	sadd.s32 s22, s21  }
0xa6: {  	[sflag:s0] =	ssyncset.done $0x0;
	s16 =	sshll.u32 s16, $0x6  }
0xa7: {  	[sflag:s0] =	ssyncadd.s32 $0xFFFFC000;
	s16 =	sadd.s32 s4, s16  }
0xa8: {  	[tilespmem:s23], [sflag:$0x2] =	stream.linear.gather [hbm4b:s16+s3], $0x200, $0x38;
	[tilespmem:$0x10400] =	vst v63  }
0xa9: {  	_ =	swait.ge [sflag:s15], $0x1000  }
0xaa: {  	[sflag:s15] =	ssyncset.done $0x0  }
0xab: {  	[sflag:s15] =	ssyncadd.s32 $0xFFFFF000  }
0xac: {  	_ =	swait.ge [sflag:s15], $0x1000  }
0xad: {  	[sflag:s15] =	ssyncset.done $0x0  }
0xae: {  	[sflag:s15] =	ssyncadd.s32 $0xFFFFF000  }
0xaf: {  	_ =	swait.ge [sflag:s15], $0x1000  }
0xb0: {  	[sflag:s15] =	ssyncset.done $0x0  }
0xb1: {  	[sflag:s15] =	ssyncadd.s32 $0xFFFFF000  }
0xb2: {  	_ =	swait.ge [sflag:s15], $0x1000  }
0xb3: {  	[sflag:s15] =	ssyncset.done $0x0  }
0xb4: {  	p0 =	sne.s32 s18, $0x18800;
	s22 =	sadd.s32 s2, s20;
	[sflag:s15] =	ssyncadd.s32 $0xFFFFF000  }
0xb5: {  	[hbm4b:s22+s3] =	stream.linear.scatter [tilespmem:s6], [sflag:$0x6], $0x1000, $0x38;
	[tilespmem:$0x10400] =	vst v63  }
.Ltmp0:
0xb6: {  	_ = 	snop;
	(pc) =	sbr.rel @p0 .LBB2_2-.Ltmp0, $4  }
0xb7: {  	s18 =	sadd.s32 $0x400, s18;
	s21 =	sadd.s32 s20, s10  }
0xb8: {  	[hbm4b:s21+s3] =	stream.linear.scatter [tilespmem:s7], [sflag:$0x6], $0x1000, $0x38;
	[tilespmem:$0x10400] =	vst v63  }
0xb9: {  	s19 =	sadd.s32 $0x2, s19;
	s22 =	sadd.s32 s20, s11;
	s20 =	sadd.s32 s20, s12  }
0xba: {  	[hbm4b:s22+s3] =	stream.linear.scatter [tilespmem:s8], [sflag:$0x6], $0x1000, $0x38;
	[tilespmem:$0x10400] =	vst v63  }
0xbb: {  	[hbm4b:s20+s3] =	stream.linear.scatter [tilespmem:s9], [sflag:$0x6], $0x1000, $0x38;
	[tilespmem:$0x10400] =	vst v63  }
0xbc: {  	_ =	swait.ge [sflag:s28], $0x4000  }
0xbd: {  	[sflag:s28] =	ssyncset.done $0x0  }
0xbe: {  	[sflag:s28] =	ssyncadd.s32 $0xFFFFC000  }
0xbf: {  	_ =	swait.ge [sflag:s13], $0x200  }
0xc0: {  	[sflag:s13] =	ssyncset.done $0x0  }
0xc1: {  	[sflag:s13] =	ssyncadd.s32 $0xFFFFFE00  }
0xc2: {  	_ =	swait.ge [sflag:s14], $0x1000  }
0xc3: {  	[sflag:s14] =	ssyncset.done $0x0  }
0xc4: {  	[sflag:s14] =	ssyncadd.s32 $0xFFFFF000  }
0xc5: {  	_ =	swait.ge [sflag:s14], $0x1000  }
0xc6: {  	[sflag:s14] =	ssyncset.done $0x0  }
0xc7: {  	[sflag:s14] =	ssyncadd.s32 $0xFFFFF000  }
0xc8: {  	_ =	swait.ge [sflag:s14], $0x1000  }
0xc9: {  	[sflag:s14] =	ssyncset.done $0x0  }
0xca: {  	[sflag:s14] =	ssyncadd.s32 $0xFFFFF000  }
0xcb: {  	_ =	swait.ge [sflag:s14], $0x1000  }
0xcc: {  	[sflag:s14] =	ssyncset.done $0x0  }
0xcd: {  	[sflag:s14] =	ssyncadd.s32 $0xFFFFF000  }
0xce: {  	_ =	swait.ge [sflag:s15], $0x1000  }
0xcf: {  	[sflag:s15] =	ssyncset.done $0x0  }
0xd0: {  	[sflag:s15] =	ssyncadd.s32 $0xFFFFF000  }
0xd1: {  	_ =	swait.ge [sflag:s15], $0x1000  }
0xd2: {  	[sflag:s15] =	ssyncset.done $0x0  }
0xd3: {  	[sflag:s15] =	ssyncadd.s32 $0xFFFFF000  }
0xd4: {  	_ =	swait.ge [sflag:s15], $0x1000  }
0xd5: {  	[sflag:s15] =	ssyncset.done $0x0  }
0xd6: {  	[sflag:s15] =	ssyncadd.s32 $0xFFFFF000  }
0xd7: {  	_ =	swait.ge [sflag:s15], $0x1000  }
0xd8: {  	s17 =	rddreg [dreg:$0x14]  }
0xd9: {  	s16 =	rddreg [dreg:$0x12];
	s17 =	sadd.s32 $0x1, s17  }
0xda: {  	p0 =	sne.s32 s17, s16  }
.Ltmp1:
0xdb: {  	_ = 	snop;
	(pc) =	sbr.rel @p0 .LBB2_1-.Ltmp1, $3  }
0xdc: {  	_ =	sdelay $0x1  }
0xdd: {  	[sflag:s15] =	ssyncset.done $0x0  }
0xde: {  	[sflag:s15] =	ssyncadd.s32 $0xFFFFF000  }
0xdf: {  	_ =	sfence.sel $0x180000  }
0xe0: {  	[bflag:$0x0] =	sbarrier.arrive $0xFFFF  }
0xe1: {  	_ =	strace $0x90000047  }
0xe2: {  	s0 =	stileid.u32;
	[bflag:$0x2] =	sbarrier.arrive $0xFFFF  }
0xe3: {  	p0 =	sne.s32 s0, $0x0;
	s0 =	rddreg [dreg:$0x2]  }
0xe4: {  	s0 =	sadd.s32 @!p0 $0x100000, s0  }
0xe5: {  	[sflag:s0] =	ssyncadd.tile.s32 @!p0 $0x1;
	_ =	shalt  }
.Lfunc_end2:
_tile_overlayer_lowered:
.L_overlay_start_2:
0xe6: {  	(tag) =	ssettag $0x2  }
0xe7: {  	s0 =	rddreg [dreg:$0x0];
	s2 =	stileid.u32  }
0xe8: {  	s1 =	rddreg [dreg:$0x1];
	p0 =	sne.s32 s2, $0x0  }
0xe9: {  	s3 =	rddreg [dreg:$0x2];
	[bflag:$0x3] =	sbarrier.arrive $0xFFFF;
	s2 =	simm.s32 @!p0 $0x1C07  }
0xea: {  	[timem:s3], [sflag:s2] =	dma.local @!p0 [hbm:s0], s1  }
0xeb: {  	s0 =	simm.s32 @!p0 $0x7  }
0xec: {  	_ =	swait.ge @!p0 [sflag:s0], s1  }
0xed: {  	s1 =	ssub.s32 @!p0 $0x0, s1;
	[sflag:s0] =	ssyncset.done @!p0 $0x0  }
0xee: {  	[sflag:s0] =	ssyncadd.s32 @!p0 s1  }
0xef: {  	[bflag:$0x3] =	sbarrier.arrive $0xFFFF  }
0xf0: {  	_ =	shalt  }

</sc_bundles>
